<compile_context>
chip_gen: v7x
topology: tpu7x:2x2x1
jax: 0.10.2.dev20260603
libtpu: 0.0.44.dev20260713+nightly
codegen_flags: <defaults>
</compile_context>

<pallas_src>
import functools

import jax
import jax.numpy as jnp
from jax import lax
from jax.experimental import pallas as pl
from jax.experimental.pallas import tpu as pltpu
from jax.experimental.pallas import tpu_sc as plsc

B = 4096
L = 200
DIM = 64
V = 1000000

NC = 2
NS = 16
NW = NC * NS

V_FULL = 999936
CA = 512
N_CHUNKS = V_FULL // CA
TAIL = V - V_FULL


def _tr_body(tT_hbm, tail_hbm, out_hbm, in_b, ob, tail_b, sem):
    wid = lax.axis_index("s") * NC + lax.axis_index("c")
    n_chunks = jnp.where(wid < N_CHUNKS - (N_CHUNKS // NW) * NW,
                         N_CHUNKS // NW + 1, N_CHUNKS // NW)
    lane = lax.iota(jnp.int32, 16)

    rowpat = tuple(lax.rem(cb * 16 + lane, 64) for cb in range(8))
    colpat = tuple(lax.div(cb * 16 + lane, 64) for cb in range(8))

    def chunk(i, _):
        c0 = pl.multiple_of((wid + i * NW) * CA, 128)
        pltpu.sync_copy(tT_hbm.at[:, pl.ds(c0, CA)], in_b)

        @functools.partial(plsc.parallel_loop, 0, CA // 2, unroll=1)
        def p_body(p):
            twop = p * 2
            vals = [plsc.load_gather(in_b, [rowpat[cb], colpat[cb] + twop])
                    for cb in range(8)]
            for cb in range(8):
                ob[p, pl.ds(cb * 16, 16)] = vals[cb]

        pltpu.sync_copy(ob, out_hbm.at[pl.ds(lax.div(c0, 2), CA // 2)])
        return 0

    lax.fori_loop(0, n_chunks, chunk, 0)

    @pl.when(wid == 0)
    def _():
        pltpu.sync_copy(tail_hbm, tail_b)
        pltpu.sync_copy(tail_b, out_hbm.at[pl.ds(V_FULL // 2, TAIL // 2)])


N = B * L
N_W = N // NW
UNITS_W = N_W // 128


def _ga_body(idx_hbm, table_hbm, out_hbm, idx_v, idx2_v, base_v,
             pairs_b, out_b, sem):
    wid = lax.axis_index("s") * NC + lax.axis_index("c")
    base = wid * N_W
    pltpu.sync_copy(idx_hbm.at[pl.ds(base, N_W)], idx_v)
    lane = lax.iota(jnp.int32, 16)
    jrow = tuple(k * 16 + lane for k in range(8))

    def unit(u_local, _):
        u = wid * UNITS_W + u_local
        l = lax.div(u, 32)
        bt = lax.rem(u, 32)
        o = pl.multiple_of(u_local * 128, 128)
        for k in range(8):
            v = idx_v[pl.ds(o + k * 16, 16)]
            idx2_v[pl.ds(k * 16, 16)] = lax.shift_right_logical(v, 1)
            base_v[pl.ds(k * 16, 16)] = lax.shift_left(
                lax.bitwise_and(v, 1), 6)
        pltpu.async_copy(table_hbm.at[idx2_v], pairs_b, sem).wait()
        hb = tuple(base_v[pl.ds(k * 16, 16)] for k in range(8))

        @functools.partial(plsc.parallel_loop, 0, DIM, unroll=1)
        def d_body(d):
            vals = [plsc.load_gather(pairs_b, [jrow[jb], hb[jb] + d])
                    for jb in range(8)]
            for jb in range(8):
                out_b[d, pl.ds(jb * 16, 16)] = vals[jb]

        pltpu.sync_copy(
            out_b, out_hbm.at[l, :, pl.ds(pl.multiple_of(bt * 128, 128), 128)])
        return 0

    lax.fori_loop(0, UNITS_W, unit, 0)


@jax.jit
def _emb2(xt_flat, table_t, tail_p):
    mesh = plsc.VectorSubcoreMesh(core_axis_name="c", subcore_axis_name="s")
    tr = functools.partial(
        pl.kernel,
        mesh=mesh,
        out_type=jax.ShapeDtypeStruct((V // 2, 2 * DIM), jnp.float32),
        scratch_types=[
            pltpu.VMEM((DIM, CA), jnp.float32),
            pltpu.VMEM((CA // 2, 2 * DIM), jnp.float32),
            pltpu.VMEM((TAIL // 2, 2 * DIM), jnp.float32),
            pltpu.SemaphoreType.DMA,
        ],
        compiler_params=pltpu.CompilerParams(needs_layout_passes=False),
    )(_tr_body)
    table_rm = tr(table_t, tail_p)

    ga = functools.partial(
        pl.kernel,
        mesh=mesh,
        out_type=jax.ShapeDtypeStruct((L, DIM, B), jnp.float32),
        scratch_types=[
            pltpu.VMEM((N_W,), jnp.int32),
            pltpu.VMEM((128,), jnp.int32),
            pltpu.VMEM((128,), jnp.int32),
            pltpu.VMEM((128, 2 * DIM), jnp.float32),
            pltpu.VMEM((DIM, 128), jnp.float32),
            pltpu.SemaphoreType.DMA,
        ],
        compiler_params=pltpu.CompilerParams(needs_layout_passes=False),
    )(_ga_body)
    return ga(xt_flat, table_rm)


def kernel(x, table):
    xt_flat = x.T.reshape(N).astype(jnp.int32)
    tail_p = table[V_FULL:].reshape(TAIL // 2, 2 * DIM)
    out_p = _emb2(xt_flat, table.T, tail_p)
    return jnp.transpose(out_p, (2, 0, 1))

# --- scband reference (transcript-rebuilt; emitter-appended) ---
"""Pipeline reference for scband-embedding-block-86466281603648 (READ-ONLY COPY).

The authoritative reference and input builder live on the scoring server;
editing this copy changes nothing except your own understanding.
"""

import jax, jax.numpy as jnp
import numpy as np

VOCAB = 1000000
DIM = 64
B = 4096
L = 200

def setup_inputs(seed: int = 0) -> dict:
    key = jax.random.key(seed)
    k1, k2 = jax.random.split(key)
    x = jax.random.randint(k1, (B, L), 0, VOCAB)
    table = jax.random.normal(k2, (VOCAB, DIM), dtype=jnp.float32)
    # nn.Embedding with padding_idx=0 initializes row 0 to zeros
    table = table.at[0].set(0.0)
    return {"x": x, "table": table}

def reference(x, table):
    # EmbeddingBlock.forward: x = self.embedding(x)
    return jnp.take(table, x, axis=0)

if __name__ == "__main__":
    import jax
    _d = setup_inputs()
    print(jax.jit(kernel)(*tuple(_d.values())))

</pallas_src>

<mosaic_0001>
#map = affine_map<(d0, d1) -> (0, 0)>
module attributes {stable_mosaic.version = 14 : i64} {
  func.func @_tr_body(%arg0: i32, %arg1: i32, %arg2: memref<64x1000000xf32, #tpu.memory_space<hbm>>, %arg3: memref<32x128xf32, #tpu.memory_space<hbm>>, %arg4: memref<500000x128xf32, #tpu.memory_space<hbm>>, %arg5: memref<64x512xf32, #tpu.memory_space<vmem>>, %arg6: memref<256x128xf32, #tpu.memory_space<vmem>>, %arg7: memref<32x128xf32, #tpu.memory_space<vmem>>, %arg8: memref<!tpu.dma_semaphore, #tpu.memory_space<semaphore_mem>>) attributes {dimension_semantics = [#tpu.dimension_semantics<core_parallel>, #tpu.dimension_semantics<subcore_parallel>], iteration_bounds = array<i64: 2, 16>, scalar_prefetch = 0 : i64, scratch_operands = 4 : i64, tpu.core_type = #tpu.core_type<sc_vector_subcore>, window_params = [{transform_indices = #map}, {transform_indices = #map}, {transform_indices = #map}]} {
    %mul3A = arith.constant 2 : i32
    %mul3A_0 = arith.muli %arg1, %mul3A : i32
    %add3A = arith.addi %mul3A_0, %arg0 : i32
    %lt3A = arith.constant 1 : i32
    %lt3A_1 = arith.cmpi slt, %add3A, %lt3A : i32
    %jit3A = arith.constant 62 : i32
    %jit3A_2 = arith.constant 61 : i32
    %select_n3A = arith.select %lt3A_1, %jit3A, %jit3A_2 : i32
    %iota3A = tpu.iota {dimensions = array<i32: 0>} : vector<16xi32>
    %add3A_3 = arith.constant 0 : i32
    %add3A_4 = vector.broadcast %add3A_3 : i32 to vector<16xi32>
    %add3A_5 = arith.addi %add3A_4, %iota3A : vector<16xi32>
    %rem3A = arith.constant 64 : i32
    %rem3A_6 = vector.broadcast %rem3A : i32 to vector<16xi32>
    %rem3A_7 = arith.remsi %add3A_5, %rem3A_6 : vector<16xi32>
    %add3A_8 = arith.constant 16 : i32
    %add3A_9 = vector.broadcast %add3A_8 : i32 to vector<16xi32>
    %add3A_10 = arith.addi %add3A_9, %iota3A : vector<16xi32>
    %rem3A_11 = arith.constant 64 : i32
    %rem3A_12 = vector.broadcast %rem3A_11 : i32 to vector<16xi32>
    %rem3A_13 = arith.remsi %add3A_10, %rem3A_12 : vector<16xi32>
    %add3A_14 = arith.constant 32 : i32
    %add3A_15 = vector.broadcast %add3A_14 : i32 to vector<16xi32>
    %add3A_16 = arith.addi %add3A_15, %iota3A : vector<16xi32>
    %rem3A_17 = arith.constant 64 : i32
    %rem3A_18 = vector.broadcast %rem3A_17 : i32 to vector<16xi32>
    %rem3A_19 = arith.remsi %add3A_16, %rem3A_18 : vector<16xi32>
    %add3A_20 = arith.constant 48 : i32
    %add3A_21 = vector.broadcast %add3A_20 : i32 to vector<16xi32>
    %add3A_22 = arith.addi %add3A_21, %iota3A : vector<16xi32>
    %rem3A_23 = arith.constant 64 : i32
    %rem3A_24 = vector.broadcast %rem3A_23 : i32 to vector<16xi32>
    %rem3A_25 = arith.remsi %add3A_22, %rem3A_24 : vector<16xi32>
    %add3A_26 = arith.constant 64 : i32
    %add3A_27 = vector.broadcast %add3A_26 : i32 to vector<16xi32>
    %add3A_28 = arith.addi %add3A_27, %iota3A : vector<16xi32>
    %rem3A_29 = arith.constant 64 : i32
    %rem3A_30 = vector.broadcast %rem3A_29 : i32 to vector<16xi32>
    %rem3A_31 = arith.remsi %add3A_28, %rem3A_30 : vector<16xi32>
    %add3A_32 = arith.constant 80 : i32
    %add3A_33 = vector.broadcast %add3A_32 : i32 to vector<16xi32>
    %add3A_34 = arith.addi %add3A_33, %iota3A : vector<16xi32>
    %rem3A_35 = arith.constant 64 : i32
    %rem3A_36 = vector.broadcast %rem3A_35 : i32 to vector<16xi32>
    %rem3A_37 = arith.remsi %add3A_34, %rem3A_36 : vector<16xi32>
    %add3A_38 = arith.constant 96 : i32
    %add3A_39 = vector.broadcast %add3A_38 : i32 to vector<16xi32>
    %add3A_40 = arith.addi %add3A_39, %iota3A : vector<16xi32>
    %rem3A_41 = arith.constant 64 : i32
    %rem3A_42 = vector.broadcast %rem3A_41 : i32 to vector<16xi32>
    %rem3A_43 = arith.remsi %add3A_40, %rem3A_42 : vector<16xi32>
    %add3A_44 = arith.constant 112 : i32
    %add3A_45 = vector.broadcast %add3A_44 : i32 to vector<16xi32>
    %add3A_46 = arith.addi %add3A_45, %iota3A : vector<16xi32>
    %rem3A_47 = arith.constant 64 : i32
    %rem3A_48 = vector.broadcast %rem3A_47 : i32 to vector<16xi32>
    %rem3A_49 = arith.remsi %add3A_46, %rem3A_48 : vector<16xi32>
    %add3A_50 = arith.constant 0 : i32
    %add3A_51 = vector.broadcast %add3A_50 : i32 to vector<16xi32>
    %add3A_52 = arith.addi %add3A_51, %iota3A : vector<16xi32>
    %div3A = arith.constant 64 : i32
    %div3A_53 = vector.broadcast %div3A : i32 to vector<16xi32>
    %div3A_54 = arith.divsi %add3A_52, %div3A_53 : vector<16xi32>
    %add3A_55 = arith.constant 16 : i32
    %add3A_56 = vector.broadcast %add3A_55 : i32 to vector<16xi32>
    %add3A_57 = arith.addi %add3A_56, %iota3A : vector<16xi32>
    %div3A_58 = arith.constant 64 : i32
    %div3A_59 = vector.broadcast %div3A_58 : i32 to vector<16xi32>
    %div3A_60 = arith.divsi %add3A_57, %div3A_59 : vector<16xi32>
    %add3A_61 = arith.constant 32 : i32
    %add3A_62 = vector.broadcast %add3A_61 : i32 to vector<16xi32>
    %add3A_63 = arith.addi %add3A_62, %iota3A : vector<16xi32>
    %div3A_64 = arith.constant 64 : i32
    %div3A_65 = vector.broadcast %div3A_64 : i32 to vector<16xi32>
    %div3A_66 = arith.divsi %add3A_63, %div3A_65 : vector<16xi32>
    %add3A_67 = arith.constant 48 : i32
    %add3A_68 = vector.broadcast %add3A_67 : i32 to vector<16xi32>
    %add3A_69 = arith.addi %add3A_68, %iota3A : vector<16xi32>
    %div3A_70 = arith.constant 64 : i32
    %div3A_71 = vector.broadcast %div3A_70 : i32 to vector<16xi32>
    %div3A_72 = arith.divsi %add3A_69, %div3A_71 : vector<16xi32>
    %add3A_73 = arith.constant 64 : i32
    %add3A_74 = vector.broadcast %add3A_73 : i32 to vector<16xi32>
    %add3A_75 = arith.addi %add3A_74, %iota3A : vector<16xi32>
    %div3A_76 = arith.constant 64 : i32
    %div3A_77 = vector.broadcast %div3A_76 : i32 to vector<16xi32>
    %div3A_78 = arith.divsi %add3A_75, %div3A_77 : vector<16xi32>
    %add3A_79 = arith.constant 80 : i32
    %add3A_80 = vector.broadcast %add3A_79 : i32 to vector<16xi32>
    %add3A_81 = arith.addi %add3A_80, %iota3A : vector<16xi32>
    %div3A_82 = arith.constant 64 : i32
    %div3A_83 = vector.broadcast %div3A_82 : i32 to vector<16xi32>
    %div3A_84 = arith.divsi %add3A_81, %div3A_83 : vector<16xi32>
    %add3A_85 = arith.constant 96 : i32
    %add3A_86 = vector.broadcast %add3A_85 : i32 to vector<16xi32>
    %add3A_87 = arith.addi %add3A_86, %iota3A : vector<16xi32>
    %div3A_88 = arith.constant 64 : i32
    %div3A_89 = vector.broadcast %div3A_88 : i32 to vector<16xi32>
    %div3A_90 = arith.divsi %add3A_87, %div3A_89 : vector<16xi32>
    %add3A_91 = arith.constant 112 : i32
    %add3A_92 = vector.broadcast %add3A_91 : i32 to vector<16xi32>
    %add3A_93 = arith.addi %add3A_92, %iota3A : vector<16xi32>
    %div3A_94 = arith.constant 64 : i32
    %div3A_95 = vector.broadcast %div3A_94 : i32 to vector<16xi32>
    %div3A_96 = arith.divsi %add3A_93, %div3A_95 : vector<16xi32>
    %while3A = arith.constant 0 : i32
    %while3A_97 = arith.constant 0 : i32
    %while3A_98 = arith.subi %select_n3A, %while3A : i32
    %while3A_99 = arith.addi %while3A, %while3A_98 : i32
    %while3A_100 = arith.constant 1 : i32
    %while3A_101 = arith.divsi %while3A_98, %while3A_100 : i32
    %while3A_102 = arith.muli %while3A_101, %while3A_100 : i32
    %while3A_103 = arith.addi %while3A, %while3A_102 : i32
    %while3A_104 = arith.constant 1 : i32
    %while3A_105 = scf.for %while3A_110 = %while3A to %while3A_103 step %while3A_104 iter_args(%while3A_111 = %while3A_97) -> (i32)  : i32 {
      %mul3A_112 = arith.constant 32 : i32
      %mul3A_113 = arith.muli %while3A_110, %mul3A_112 : i32
      %add3A_114 = arith.addi %add3A, %mul3A_113 : i32
      %mul3A_115 = arith.constant 512 : i32
      %mul3A_116 = arith.muli %add3A_114, %mul3A_115 : i32
      %multiple_of3A = tpu.assume_multiple %mul3A_116, 128 : i32
      "tpu.region"() ({
        %run_scoped3A = tpu.sem_alloc : memref<!tpu.dma_semaphore, #tpu.memory_space<semaphore_mem>>
        %dma_start3A = arith.constant 0 : i32
        %dma_start3A_120 = tpu.memref_slice %arg2[%dma_start3A, %multiple_of3A] : memref<64x1000000xf32, #tpu.memory_space<hbm>> -> memref<64x512xf32, #tpu.memory_space<hbm>>
        %dma_start3A_121 = arith.constant 0 : i32
        %dma_start3A_122 = tpu.memref_slice %arg2[%dma_start3A_121, %multiple_of3A] : memref<64x1000000xf32, #tpu.memory_space<hbm>> -> memref<64x512xf32, #tpu.memory_space<hbm>>
        tpu.enqueue_dma source(%dma_start3A_122 : memref<64x512xf32, #tpu.memory_space<hbm>>) target(%arg5 : memref<64x512xf32, #tpu.memory_space<vmem>>) target_semaphore(%run_scoped3A : memref<!tpu.dma_semaphore, #tpu.memory_space<semaphore_mem>>)
        %dma_wait3A = arith.constant 0 : i32
        %dma_wait3A_123 = tpu.memref_slice %arg2[%dma_wait3A, %multiple_of3A] : memref<64x1000000xf32, #tpu.memory_space<hbm>> -> memref<64x512xf32, #tpu.memory_space<hbm>>
        %dma_wait3A_124 = arith.constant 0 : i32
        %dma_wait3A_125 = tpu.memref_slice %arg2[%dma_wait3A_124, %multiple_of3A] : memref<64x1000000xf32, #tpu.memory_space<hbm>> -> memref<64x512xf32, #tpu.memory_space<hbm>>
        tpu.wait_dma2 semaphore(%run_scoped3A : memref<!tpu.dma_semaphore, #tpu.memory_space<semaphore_mem>>) src(%dma_wait3A_125 : memref<64x512xf32, #tpu.memory_space<hbm>>) dst(%arg5 : memref<64x512xf32, #tpu.memory_space<vmem>>)
        tpu.yield
      }) : () -> ()
      %div3A_117 = arith.constant 2 : i32
      %div3A_118 = arith.divsi %multiple_of3A, %div3A_117 : i32
      "tpu.region"() ({
        %run_scoped3A = tpu.sem_alloc : memref<!tpu.dma_semaphore, #tpu.memory_space<semaphore_mem>>
        %dma_start3A = arith.constant 0 : i32
        %dma_start3A_120 = tpu.memref_slice %arg4[%div3A_118, %dma_start3A] : memref<500000x128xf32, #tpu.memory_space<hbm>> -> memref<256x128xf32, #tpu.memory_space<hbm>>
        %dma_start3A_121 = arith.constant 0 : i32
        %dma_start3A_122 = tpu.memref_slice %arg4[%div3A_118, %dma_start3A_121] : memref<500000x128xf32, #tpu.memory_space<hbm>> -> memref<256x128xf32, #tpu.memory_space<hbm>>
        tpu.enqueue_dma source(%arg6 : memref<256x128xf32, #tpu.memory_space<vmem>>) target(%dma_start3A_122 : memref<256x128xf32, #tpu.memory_space<hbm>>) target_semaphore(%run_scoped3A : memref<!tpu.dma_semaphore, #tpu.memory_space<semaphore_mem>>)
        %dma_wait3A = arith.constant 0 : i32
        %dma_wait3A_123 = tpu.memref_slice %arg4[%div3A_118, %dma_wait3A] : memref<500000x128xf32, #tpu.memory_space<hbm>> -> memref<256x128xf32, #tpu.memory_space<hbm>>
        %dma_wait3A_124 = arith.constant 0 : i32
        %dma_wait3A_125 = tpu.memref_slice %arg4[%div3A_118, %dma_wait3A_124] : memref<500000x128xf32, #tpu.memory_space<hbm>> -> memref<256x128xf32, #tpu.memory_space<hbm>>
        tpu.wait_dma2 semaphore(%run_scoped3A : memref<!tpu.dma_semaphore, #tpu.memory_space<semaphore_mem>>) src(%arg6 : memref<256x128xf32, #tpu.memory_space<vmem>>) dst(%dma_wait3A_125 : memref<256x128xf32, #tpu.memory_space<hbm>>)
        tpu.yield
      }) : () -> ()
      %while3A_119 = arith.constant 0 : i32
      scf.yield %while3A_119 : i32
    }
    %while3A_106 = arith.constant 1 : i32
    %while3A_107 = scf.for %while3A_110 = %while3A_103 to %while3A_99 step %while3A_106 iter_args(%while3A_111 = %while3A_105) -> (i32)  : i32 {
      %mul3A_112 = arith.constant 32 : i32
      %mul3A_113 = arith.muli %while3A_110, %mul3A_112 : i32
      %add3A_114 = arith.addi %add3A, %mul3A_113 : i32
      %mul3A_115 = arith.constant 512 : i32
      %mul3A_116 = arith.muli %add3A_114, %mul3A_115 : i32
      %multiple_of3A = tpu.assume_multiple %mul3A_116, 128 : i32
      "tpu.region"() ({
        %run_scoped3A = tpu.sem_alloc : memref<!tpu.dma_semaphore, #tpu.memory_space<semaphore_mem>>
        %dma_start3A = arith.constant 0 : i32
        %dma_start3A_120 = tpu.memref_slice %arg2[%dma_start3A, %multiple_of3A] : memref<64x1000000xf32, #tpu.memory_space<hbm>> -> memref<64x512xf32, #tpu.memory_space<hbm>>
        %dma_start3A_121 = arith.constant 0 : i32
        %dma_start3A_122 = tpu.memref_slice %arg2[%dma_start3A_121, %multiple_of3A] : memref<64x1000000xf32, #tpu.memory_space<hbm>> -> memref<64x512xf32, #tpu.memory_space<hbm>>
        tpu.enqueue_dma source(%dma_start3A_122 : memref<64x512xf32, #tpu.memory_space<hbm>>) target(%arg5 : memref<64x512xf32, #tpu.memory_space<vmem>>) target_semaphore(%run_scoped3A : memref<!tpu.dma_semaphore, #tpu.memory_space<semaphore_mem>>)
        %dma_wait3A = arith.constant 0 : i32
        %dma_wait3A_123 = tpu.memref_slice %arg2[%dma_wait3A, %multiple_of3A] : memref<64x1000000xf32, #tpu.memory_space<hbm>> -> memref<64x512xf32, #tpu.memory_space<hbm>>
        %dma_wait3A_124 = arith.constant 0 : i32
        %dma_wait3A_125 = tpu.memref_slice %arg2[%dma_wait3A_124, %multiple_of3A] : memref<64x1000000xf32, #tpu.memory_space<hbm>> -> memref<64x512xf32, #tpu.memory_space<hbm>>
        tpu.wait_dma2 semaphore(%run_scoped3A : memref<!tpu.dma_semaphore, #tpu.memory_space<semaphore_mem>>) src(%dma_wait3A_125 : memref<64x512xf32, #tpu.memory_space<hbm>>) dst(%arg5 : memref<64x512xf32, #tpu.memory_space<vmem>>)
        tpu.yield
      }) : () -> ()
      %div3A_117 = arith.constant 2 : i32
      %div3A_118 = arith.divsi %multiple_of3A, %div3A_117 : i32
      "tpu.region"() ({
        %run_scoped3A = tpu.sem_alloc : memref<!tpu.dma_semaphore, #tpu.memory_space<semaphore_mem>>
        %dma_start3A = arith.constant 0 : i32
        %dma_start3A_120 = tpu.memref_slice %arg4[%div3A_118, %dma_start3A] : memref<500000x128xf32, #tpu.memory_space<hbm>> -> memref<256x128xf32, #tpu.memory_space<hbm>>
        %dma_start3A_121 = arith.constant 0 : i32
        %dma_start3A_122 = tpu.memref_slice %arg4[%div3A_118, %dma_start3A_121] : memref<500000x128xf32, #tpu.memory_space<hbm>> -> memref<256x128xf32, #tpu.memory_space<hbm>>
        tpu.enqueue_dma source(%arg6 : memref<256x128xf32, #tpu.memory_space<vmem>>) target(%dma_start3A_122 : memref<256x128xf32, #tpu.memory_space<hbm>>) target_semaphore(%run_scoped3A : memref<!tpu.dma_semaphore, #tpu.memory_space<semaphore_mem>>)
        %dma_wait3A = arith.constant 0 : i32
        %dma_wait3A_123 = tpu.memref_slice %arg4[%div3A_118, %dma_wait3A] : memref<500000x128xf32, #tpu.memory_space<hbm>> -> memref<256x128xf32, #tpu.memory_space<hbm>>
        %dma_wait3A_124 = arith.constant 0 : i32
        %dma_wait3A_125 = tpu.memref_slice %arg4[%div3A_118, %dma_wait3A_124] : memref<500000x128xf32, #tpu.memory_space<hbm>> -> memref<256x128xf32, #tpu.memory_space<hbm>>
        tpu.wait_dma2 semaphore(%run_scoped3A : memref<!tpu.dma_semaphore, #tpu.memory_space<semaphore_mem>>) src(%arg6 : memref<256x128xf32, #tpu.memory_space<vmem>>) dst(%dma_wait3A_125 : memref<256x128xf32, #tpu.memory_space<hbm>>)
        tpu.yield
      }) : () -> ()
      %while3A_119 = arith.constant 0 : i32
      scf.yield %while3A_119 : i32
    }
    %eq3A = arith.constant 0 : i32
    %eq3A_108 = arith.cmpi eq, %add3A, %eq3A : i32
    %convert_element_type3A = arith.extui %eq3A_108 : i1 to i32
    %cond3A = arith.constant 0 : i32
    %cond3A_109 = arith.cmpi ne, %convert_element_type3A, %cond3A : i32
    scf.if %cond3A_109 {
      "tpu.region"() ({
        %run_scoped3A = tpu.sem_alloc : memref<!tpu.dma_semaphore, #tpu.memory_space<semaphore_mem>>
        tpu.enqueue_dma source(%arg3 : memref<32x128xf32, #tpu.memory_space<hbm>>) target(%arg7 : memref<32x128xf32, #tpu.memory_space<vmem>>) target_semaphore(%run_scoped3A : memref<!tpu.dma_semaphore, #tpu.memory_space<semaphore_mem>>)
        tpu.wait_dma2 semaphore(%run_scoped3A : memref<!tpu.dma_semaphore, #tpu.memory_space<semaphore_mem>>) src(%arg3 : memref<32x128xf32, #tpu.memory_space<hbm>>) dst(%arg7 : memref<32x128xf32, #tpu.memory_space<vmem>>)
        tpu.yield
      }) : () -> ()
      "tpu.region"() ({
        %run_scoped3A = tpu.sem_alloc : memref<!tpu.dma_semaphore, #tpu.memory_space<semaphore_mem>>
        %dma_start3A = arith.constant 499968 : i32
        %dma_start3A_110 = arith.constant 0 : i32
        %dma_start3A_111 = tpu.memref_slice %arg4[%dma_start3A, %dma_start3A_110] : memref<500000x128xf32, #tpu.memory_space<hbm>> -> memref<32x128xf32, #tpu.memory_space<hbm>>
        %dma_start3A_112 = arith.constant 499968 : i32
        %dma_start3A_113 = arith.constant 0 : i32
        %dma_start3A_114 = tpu.memref_slice %arg4[%dma_start3A_112, %dma_start3A_113] : memref<500000x128xf32, #tpu.memory_space<hbm>> -> memref<32x128xf32, #tpu.memory_space<hbm>>
        tpu.enqueue_dma source(%arg7 : memref<32x128xf32, #tpu.memory_space<vmem>>) target(%dma_start3A_114 : memref<32x128xf32, #tpu.memory_space<hbm>>) target_semaphore(%run_scoped3A : memref<!tpu.dma_semaphore, #tpu.memory_space<semaphore_mem>>)
        %dma_wait3A = arith.constant 499968 : i32
        %dma_wait3A_115 = arith.constant 0 : i32
        %dma_wait3A_116 = tpu.memref_slice %arg4[%dma_wait3A, %dma_wait3A_115] : memref<500000x128xf32, #tpu.memory_space<hbm>> -> memref<32x128xf32, #tpu.memory_space<hbm>>
        %dma_wait3A_117 = arith.constant 499968 : i32
        %dma_wait3A_118 = arith.constant 0 : i32
        %dma_wait3A_119 = tpu.memref_slice %arg4[%dma_wait3A_117, %dma_wait3A_118] : memref<500000x128xf32, #tpu.memory_space<hbm>> -> memref<32x128xf32, #tpu.memory_space<hbm>>
        tpu.wait_dma2 semaphore(%run_scoped3A : memref<!tpu.dma_semaphore, #tpu.memory_space<semaphore_mem>>) src(%arg7 : memref<32x128xf32, #tpu.memory_space<vmem>>) dst(%dma_wait3A_119 : memref<32x128xf32, #tpu.memory_space<hbm>>)
        tpu.yield
      }) : () -> ()
    } else {
    }
    return
  }
}

#map = affine_map<(d0, d1) -> (0)>
#map1 = affine_map<(d0, d1) -> (0, 0)>
#map2 = affine_map<(d0, d1) -> (0, 0, 0)>
module attributes {stable_mosaic.version = 14 : i64} {
  func.func @_ga_body(%arg0: i32, %arg1: i32, %arg2: memref<819200xi32, #tpu.memory_space<hbm>>, %arg3: memref<500000x128xf32, #tpu.memory_space<hbm>>, %arg4: memref<200x64x4096xf32, #tpu.memory_space<hbm>>, %arg5: memref<25600xi32, #tpu.memory_space<vmem>>, %arg6: memref<128xi32, #tpu.memory_space<vmem>>, %arg7: memref<128xi32, #tpu.memory_space<vmem>>, %arg8: memref<128x128xf32, #tpu.memory_space<vmem>>, %arg9: memref<64x128xf32, #tpu.memory_space<vmem>>, %arg10: memref<!tpu.dma_semaphore, #tpu.memory_space<semaphore_mem>>) attributes {dimension_semantics = [#tpu.dimension_semantics<core_parallel>, #tpu.dimension_semantics<subcore_parallel>], iteration_bounds = array<i64: 2, 16>, scalar_prefetch = 0 : i64, scratch_operands = 6 : i64, tpu.core_type = #tpu.core_type<sc_vector_subcore>, window_params = [{transform_indices = #map}, {transform_indices = #map1}, {transform_indices = #map2}]} {
    %mul3A = arith.constant 2 : i32
    %mul3A_0 = arith.muli %arg1, %mul3A : i32
    %add3A = arith.addi %mul3A_0, %arg0 : i32
    %mul3A_1 = arith.constant 25600 : i32
    %mul3A_2 = arith.muli %add3A, %mul3A_1 : i32
    "tpu.region"() ({
      %run_scoped3A = tpu.sem_alloc : memref<!tpu.dma_semaphore, #tpu.memory_space<semaphore_mem>>
      %dma_start3A = tpu.memref_slice %arg2[%mul3A_2] : memref<819200xi32, #tpu.memory_space<hbm>> -> memref<25600xi32, #tpu.memory_space<hbm>>
      %dma_start3A_33 = tpu.memref_slice %arg2[%mul3A_2] : memref<819200xi32, #tpu.memory_space<hbm>> -> memref<25600xi32, #tpu.memory_space<hbm>>
      tpu.enqueue_dma source(%dma_start3A_33 : memref<25600xi32, #tpu.memory_space<hbm>>) target(%arg5 : memref<25600xi32, #tpu.memory_space<vmem>>) target_semaphore(%run_scoped3A : memref<!tpu.dma_semaphore, #tpu.memory_space<semaphore_mem>>)
      %dma_wait3A = tpu.memref_slice %arg2[%mul3A_2] : memref<819200xi32, #tpu.memory_space<hbm>> -> memref<25600xi32, #tpu.memory_space<hbm>>
      %dma_wait3A_34 = tpu.memref_slice %arg2[%mul3A_2] : memref<819200xi32, #tpu.memory_space<hbm>> -> memref<25600xi32, #tpu.memory_space<hbm>>
      tpu.wait_dma2 semaphore(%run_scoped3A : memref<!tpu.dma_semaphore, #tpu.memory_space<semaphore_mem>>) src(%dma_wait3A_34 : memref<25600xi32, #tpu.memory_space<hbm>>) dst(%arg5 : memref<25600xi32, #tpu.memory_space<vmem>>)
      tpu.yield
    }) : () -> ()
    %iota3A = tpu.iota {dimensions = array<i32: 0>} : vector<16xi32>
    %add3A_3 = arith.constant 0 : i32
    %add3A_4 = vector.broadcast %add3A_3 : i32 to vector<16xi32>
    %add3A_5 = arith.addi %add3A_4, %iota3A : vector<16xi32>
    %add3A_6 = arith.constant 16 : i32
    %add3A_7 = vector.broadcast %add3A_6 : i32 to vector<16xi32>
    %add3A_8 = arith.addi %add3A_7, %iota3A : vector<16xi32>
    %add3A_9 = arith.constant 32 : i32
    %add3A_10 = vector.broadcast %add3A_9 : i32 to vector<16xi32>
    %add3A_11 = arith.addi %add3A_10, %iota3A : vector<16xi32>
    %add3A_12 = arith.constant 48 : i32
    %add3A_13 = vector.broadcast %add3A_12 : i32 to vector<16xi32>
    %add3A_14 = arith.addi %add3A_13, %iota3A : vector<16xi32>
    %add3A_15 = arith.constant 64 : i32
    %add3A_16 = vector.broadcast %add3A_15 : i32 to vector<16xi32>
    %add3A_17 = arith.addi %add3A_16, %iota3A : vector<16xi32>
    %add3A_18 = arith.constant 80 : i32
    %add3A_19 = vector.broadcast %add3A_18 : i32 to vector<16xi32>
    %add3A_20 = arith.addi %add3A_19, %iota3A : vector<16xi32>
    %add3A_21 = arith.constant 96 : i32
    %add3A_22 = vector.broadcast %add3A_21 : i32 to vector<16xi32>
    %add3A_23 = arith.addi %add3A_22, %iota3A : vector<16xi32>
    %add3A_24 = arith.constant 112 : i32
    %add3A_25 = vector.broadcast %add3A_24 : i32 to vector<16xi32>
    %add3A_26 = arith.addi %add3A_25, %iota3A : vector<16xi32>
    %scan3A = arith.constant 0 : i32
    %scan3A_27 = arith.constant 0 : i32
    %scan3A_28 = arith.constant 200 : i32
    %scan3A_29 = arith.addi %scan3A_27, %scan3A_28 : i32
    %scan3A_30 = arith.constant 1 : i32
    %scan3A_31 = scf.for %scan3A_33 = %scan3A_27 to %scan3A_29 step %scan3A_30 iter_args(%scan3A_34 = %scan3A) -> (i32)  : i32 {
      %mul3A_35 = arith.constant 200 : i32
      %mul3A_36 = arith.muli %add3A, %mul3A_35 : i32
      %add3A_37 = arith.addi %mul3A_36, %scan3A_33 : i32
      %div3A = arith.constant 32 : i32
      %div3A_38 = arith.divsi %add3A_37, %div3A : i32
      %rem3A = arith.constant 32 : i32
      %rem3A_39 = arith.remsi %add3A_37, %rem3A : i32
      %mul3A_40 = arith.constant 128 : i32
      %mul3A_41 = arith.muli %scan3A_33, %mul3A_40 : i32
      %multiple_of3A = tpu.assume_multiple %mul3A_41, 128 : i32
      %add3A_42 = arith.constant 0 : i32
      %add3A_43 = arith.addi %multiple_of3A, %add3A_42 : i32
      %get3A = arith.index_cast %add3A_43 : i32 to index
      %get3A_44 = tpu.vector_load %arg5[%get3A] {strides = array<i32>} : memref<25600xi32, #tpu.memory_space<vmem>>, vector<16xi32>,
      %shift_right_logical3A = arith.constant 1 : i32
      %shift_right_logical3A_45 = vector.broadcast %shift_right_logical3A : i32 to vector<16xi32>
      %shift_right_logical3A_46 = arith.shrui %get3A_44, %shift_right_logical3A_45 : vector<16xi32>
      %swap3A = arith.constant 0 : index
      %swap3A_47 = tpu.vector_load %arg6[%swap3A] {strides = array<i32>} : memref<128xi32, #tpu.memory_space<vmem>>, vector<16xi32>,
      tpu.vector_store %arg6[%swap3A], %shift_right_logical3A_46 {strides = array<i32>} : memref<128xi32, #tpu.memory_space<vmem>>, vector<16xi32>,
      %and3A = arith.constant 1 : i32
      %and3A_48 = vector.broadcast %and3A : i32 to vector<16xi32>
      %and3A_49 = arith.andi %get3A_44, %and3A_48 : vector<16xi32>
      %shift_left3A = arith.constant 6 : i32
      %shift_left3A_50 = vector.broadcast %shift_left3A : i32 to vector<16xi32>
      %shift_left3A_51 = arith.shli %and3A_49, %shift_left3A_50 : vector<16xi32>
      %swap3A_52 = arith.constant 0 : index
      %swap3A_53 = tpu.vector_load %arg7[%swap3A_52] {strides = array<i32>} : memref<128xi32, #tpu.memory_space<vmem>>, vector<16xi32>,
      tpu.vector_store %arg7[%swap3A_52], %shift_left3A_51 {strides = array<i32>} : memref<128xi32, #tpu.memory_space<vmem>>, vector<16xi32>,
      %add3A_54 = arith.constant 16 : i32
      %add3A_55 = arith.addi %multiple_of3A, %add3A_54 : i32
      %get3A_56 = arith.index_cast %add3A_55 : i32 to index
      %get3A_57 = tpu.vector_load %arg5[%get3A_56] {strides = array<i32>} : memref<25600xi32, #tpu.memory_space<vmem>>, vector<16xi32>,
      %shift_right_logical3A_58 = arith.constant 1 : i32
      %shift_right_logical3A_59 = vector.broadcast %shift_right_logical3A_58 : i32 to vector<16xi32>
      %shift_right_logical3A_60 = arith.shrui %get3A_57, %shift_right_logical3A_59 : vector<16xi32>
      %swap3A_61 = arith.constant 16 : index
      %swap3A_62 = tpu.vector_load %arg6[%swap3A_61] {strides = array<i32>} : memref<128xi32, #tpu.memory_space<vmem>>, vector<16xi32>,
      tpu.vector_store %arg6[%swap3A_61], %shift_right_logical3A_60 {strides = array<i32>} : memref<128xi32, #tpu.memory_space<vmem>>, vector<16xi32>,
      %and3A_63 = arith.constant 1 : i32
      %and3A_64 = vector.broadcast %and3A_63 : i32 to vector<16xi32>
      %and3A_65 = arith.andi %get3A_57, %and3A_64 : vector<16xi32>
      %shift_left3A_66 = arith.constant 6 : i32
      %shift_left3A_67 = vector.broadcast %shift_left3A_66 : i32 to vector<16xi32>
      %shift_left3A_68 = arith.shli %and3A_65, %shift_left3A_67 : vector<16xi32>
      %swap3A_69 = arith.constant 16 : index
      %swap3A_70 = tpu.vector_load %arg7[%swap3A_69] {strides = array<i32>} : memref<128xi32, #tpu.memory_space<vmem>>, vector<16xi32>,
      tpu.vector_store %arg7[%swap3A_69], %shift_left3A_68 {strides = array<i32>} : memref<128xi32, #tpu.memory_space<vmem>>, vector<16xi32>,
      %add3A_71 = arith.constant 32 : i32
      %add3A_72 = arith.addi %multiple_of3A, %add3A_71 : i32
      %get3A_73 = arith.index_cast %add3A_72 : i32 to index
      %get3A_74 = tpu.vector_load %arg5[%get3A_73] {strides = array<i32>} : memref<25600xi32, #tpu.memory_space<vmem>>, vector<16xi32>,
      %shift_right_logical3A_75 = arith.constant 1 : i32
      %shift_right_logical3A_76 = vector.broadcast %shift_right_logical3A_75 : i32 to vector<16xi32>
      %shift_right_logical3A_77 = arith.shrui %get3A_74, %shift_right_logical3A_76 : vector<16xi32>
      %swap3A_78 = arith.constant 32 : index
      %swap3A_79 = tpu.vector_load %arg6[%swap3A_78] {strides = array<i32>} : memref<128xi32, #tpu.memory_space<vmem>>, vector<16xi32>,
      tpu.vector_store %arg6[%swap3A_78], %shift_right_logical3A_77 {strides = array<i32>} : memref<128xi32, #tpu.memory_space<vmem>>, vector<16xi32>,
      %and3A_80 = arith.constant 1 : i32
      %and3A_81 = vector.broadcast %and3A_80 : i32 to vector<16xi32>
      %and3A_82 = arith.andi %get3A_74, %and3A_81 : vector<16xi32>
      %shift_left3A_83 = arith.constant 6 : i32
      %shift_left3A_84 = vector.broadcast %shift_left3A_83 : i32 to vector<16xi32>
      %shift_left3A_85 = arith.shli %and3A_82, %shift_left3A_84 : vector<16xi32>
      %swap3A_86 = arith.constant 32 : index
      %swap3A_87 = tpu.vector_load %arg7[%swap3A_86] {strides = array<i32>} : memref<128xi32, #tpu.memory_space<vmem>>, vector<16xi32>,
      tpu.vector_store %arg7[%swap3A_86], %shift_left3A_85 {strides = array<i32>} : memref<128xi32, #tpu.memory_space<vmem>>, vector<16xi32>,
      %add3A_88 = arith.constant 48 : i32
      %add3A_89 = arith.addi %multiple_of3A, %add3A_88 : i32
      %get3A_90 = arith.index_cast %add3A_89 : i32 to index
      %get3A_91 = tpu.vector_load %arg5[%get3A_90] {strides = array<i32>} : memref<25600xi32, #tpu.memory_space<vmem>>, vector<16xi32>,
      %shift_right_logical3A_92 = arith.constant 1 : i32
      %shift_right_logical3A_93 = vector.broadcast %shift_right_logical3A_92 : i32 to vector<16xi32>
      %shift_right_logical3A_94 = arith.shrui %get3A_91, %shift_right_logical3A_93 : vector<16xi32>
      %swap3A_95 = arith.constant 48 : index
      %swap3A_96 = tpu.vector_load %arg6[%swap3A_95] {strides = array<i32>} : memref<128xi32, #tpu.memory_space<vmem>>, vector<16xi32>,
      tpu.vector_store %arg6[%swap3A_95], %shift_right_logical3A_94 {strides = array<i32>} : memref<128xi32, #tpu.memory_space<vmem>>, vector<16xi32>,
      %and3A_97 = arith.constant 1 : i32
      %and3A_98 = vector.broadcast %and3A_97 : i32 to vector<16xi32>
      %and3A_99 = arith.andi %get3A_91, %and3A_98 : vector<16xi32>
      %shift_left3A_100 = arith.constant 6 : i32
      %shift_left3A_101 = vector.broadcast %shift_left3A_100 : i32 to vector<16xi32>
      %shift_left3A_102 = arith.shli %and3A_99, %shift_left3A_101 : vector<16xi32>
      %swap3A_103 = arith.constant 48 : index
      %swap3A_104 = tpu.vector_load %arg7[%swap3A_103] {strides = array<i32>} : memref<128xi32, #tpu.memory_space<vmem>>, vector<16xi32>,
      tpu.vector_store %arg7[%swap3A_103], %shift_left3A_102 {strides = array<i32>} : memref<128xi32, #tpu.memory_space<vmem>>, vector<16xi32>,
      %add3A_105 = arith.constant 64 : i32
      %add3A_106 = arith.addi %multiple_of3A, %add3A_105 : i32
      %get3A_107 = arith.index_cast %add3A_106 : i32 to index
      %get3A_108 = tpu.vector_load %arg5[%get3A_107] {strides = array<i32>} : memref<25600xi32, #tpu.memory_space<vmem>>, vector<16xi32>,
      %shift_right_logical3A_109 = arith.constant 1 : i32
      %shift_right_logical3A_110 = vector.broadcast %shift_right_logical3A_109 : i32 to vector<16xi32>
      %shift_right_logical3A_111 = arith.shrui %get3A_108, %shift_right_logical3A_110 : vector<16xi32>
      %swap3A_112 = arith.constant 64 : index
      %swap3A_113 = tpu.vector_load %arg6[%swap3A_112] {strides = array<i32>} : memref<128xi32, #tpu.memory_space<vmem>>, vector<16xi32>,
      tpu.vector_store %arg6[%swap3A_112], %shift_right_logical3A_111 {strides = array<i32>} : memref<128xi32, #tpu.memory_space<vmem>>, vector<16xi32>,
      %and3A_114 = arith.constant 1 : i32
      %and3A_115 = vector.broadcast %and3A_114 : i32 to vector<16xi32>
      %and3A_116 = arith.andi %get3A_108, %and3A_115 : vector<16xi32>
      %shift_left3A_117 = arith.constant 6 : i32
      %shift_left3A_118 = vector.broadcast %shift_left3A_117 : i32 to vector<16xi32>
      %shift_left3A_119 = arith.shli %and3A_116, %shift_left3A_118 : vector<16xi32>
      %swap3A_120 = arith.constant 64 : index
      %swap3A_121 = tpu.vector_load %arg7[%swap3A_120] {strides = array<i32>} : memref<128xi32, #tpu.memory_space<vmem>>, vector<16xi32>,
      tpu.vector_store %arg7[%swap3A_120], %shift_left3A_119 {strides = array<i32>} : memref<128xi32, #tpu.memory_space<vmem>>, vector<16xi32>,
      %add3A_122 = arith.constant 80 : i32
      %add3A_123 = arith.addi %multiple_of3A, %add3A_122 : i32
      %get3A_124 = arith.index_cast %add3A_123 : i32 to index
      %get3A_125 = tpu.vector_load %arg5[%get3A_124] {strides = array<i32>} : memref<25600xi32, #tpu.memory_space<vmem>>, vector<16xi32>,
      %shift_right_logical3A_126 = arith.constant 1 : i32
      %shift_right_logical3A_127 = vector.broadcast %shift_right_logical3A_126 : i32 to vector<16xi32>
      %shift_right_logical3A_128 = arith.shrui %get3A_125, %shift_right_logical3A_127 : vector<16xi32>
      %swap3A_129 = arith.constant 80 : index
      %swap3A_130 = tpu.vector_load %arg6[%swap3A_129] {strides = array<i32>} : memref<128xi32, #tpu.memory_space<vmem>>, vector<16xi32>,
      tpu.vector_store %arg6[%swap3A_129], %shift_right_logical3A_128 {strides = array<i32>} : memref<128xi32, #tpu.memory_space<vmem>>, vector<16xi32>,
      %and3A_131 = arith.constant 1 : i32
      %and3A_132 = vector.broadcast %and3A_131 : i32 to vector<16xi32>
      %and3A_133 = arith.andi %get3A_125, %and3A_132 : vector<16xi32>
      %shift_left3A_134 = arith.constant 6 : i32
      %shift_left3A_135 = vector.broadcast %shift_left3A_134 : i32 to vector<16xi32>
      %shift_left3A_136 = arith.shli %and3A_133, %shift_left3A_135 : vector<16xi32>
      %swap3A_137 = arith.constant 80 : index
      %swap3A_138 = tpu.vector_load %arg7[%swap3A_137] {strides = array<i32>} : memref<128xi32, #tpu.memory_space<vmem>>, vector<16xi32>,
      tpu.vector_store %arg7[%swap3A_137], %shift_left3A_136 {strides = array<i32>} : memref<128xi32, #tpu.memory_space<vmem>>, vector<16xi32>,
      %add3A_139 = arith.constant 96 : i32
      %add3A_140 = arith.addi %multiple_of3A, %add3A_139 : i32
      %get3A_141 = arith.index_cast %add3A_140 : i32 to index
      %get3A_142 = tpu.vector_load %arg5[%get3A_141] {strides = array<i32>} : memref<25600xi32, #tpu.memory_space<vmem>>, vector<16xi32>,
      %shift_right_logical3A_143 = arith.constant 1 : i32
      %shift_right_logical3A_144 = vector.broadcast %shift_right_logical3A_143 : i32 to vector<16xi32>
      %shift_right_logical3A_145 = arith.shrui %get3A_142, %shift_right_logical3A_144 : vector<16xi32>
      %swap3A_146 = arith.constant 96 : index
      %swap3A_147 = tpu.vector_load %arg6[%swap3A_146] {strides = array<i32>} : memref<128xi32, #tpu.memory_space<vmem>>, vector<16xi32>,
      tpu.vector_store %arg6[%swap3A_146], %shift_right_logical3A_145 {strides = array<i32>} : memref<128xi32, #tpu.memory_space<vmem>>, vector<16xi32>,
      %and3A_148 = arith.constant 1 : i32
      %and3A_149 = vector.broadcast %and3A_148 : i32 to vector<16xi32>
      %and3A_150 = arith.andi %get3A_142, %and3A_149 : vector<16xi32>
      %shift_left3A_151 = arith.constant 6 : i32
      %shift_left3A_152 = vector.broadcast %shift_left3A_151 : i32 to vector<16xi32>
      %shift_left3A_153 = arith.shli %and3A_150, %shift_left3A_152 : vector<16xi32>
      %swap3A_154 = arith.constant 96 : index
      %swap3A_155 = tpu.vector_load %arg7[%swap3A_154] {strides = array<i32>} : memref<128xi32, #tpu.memory_space<vmem>>, vector<16xi32>,
      tpu.vector_store %arg7[%swap3A_154], %shift_left3A_153 {strides = array<i32>} : memref<128xi32, #tpu.memory_space<vmem>>, vector<16xi32>,
      %add3A_156 = arith.constant 112 : i32
      %add3A_157 = arith.addi %multiple_of3A, %add3A_156 : i32
      %get3A_158 = arith.index_cast %add3A_157 : i32 to index
      %get3A_159 = tpu.vector_load %arg5[%get3A_158] {strides = array<i32>} : memref<25600xi32, #tpu.memory_space<vmem>>, vector<16xi32>,
      %shift_right_logical3A_160 = arith.constant 1 : i32
      %shift_right_logical3A_161 = vector.broadcast %shift_right_logical3A_160 : i32 to vector<16xi32>
      %shift_right_logical3A_162 = arith.shrui %get3A_159, %shift_right_logical3A_161 : vector<16xi32>
      %swap3A_163 = arith.constant 112 : index
      %swap3A_164 = tpu.vector_load %arg6[%swap3A_163] {strides = array<i32>} : memref<128xi32, #tpu.memory_space<vmem>>, vector<16xi32>,
      tpu.vector_store %arg6[%swap3A_163], %shift_right_logical3A_162 {strides = array<i32>} : memref<128xi32, #tpu.memory_space<vmem>>, vector<16xi32>,
      %and3A_165 = arith.constant 1 : i32
      %and3A_166 = vector.broadcast %and3A_165 : i32 to vector<16xi32>
      %and3A_167 = arith.andi %get3A_159, %and3A_166 : vector<16xi32>
      %shift_left3A_168 = arith.constant 6 : i32
      %shift_left3A_169 = vector.broadcast %shift_left3A_168 : i32 to vector<16xi32>
      %shift_left3A_170 = arith.shli %and3A_167, %shift_left3A_169 : vector<16xi32>
      %swap3A_171 = arith.constant 112 : index
      %swap3A_172 = tpu.vector_load %arg7[%swap3A_171] {strides = array<i32>} : memref<128xi32, #tpu.memory_space<vmem>>, vector<16xi32>,
      tpu.vector_store %arg7[%swap3A_171], %shift_left3A_170 {strides = array<i32>} : memref<128xi32, #tpu.memory_space<vmem>>, vector<16xi32>,
      %dma_start3A = arith.constant 0 : i32
      %dma_start3A_173 = arith.constant 0 : i32
      %dma_start3A_174 = tpu.memref_slice %arg3[%dma_start3A, %dma_start3A_173] : memref<500000x128xf32, #tpu.memory_space<hbm>> -> memref<500000x128xf32, #tpu.memory_space<hbm>>
      tpu.enqueue_indirect_dma source(%dma_start3A_174 : memref<500000x128xf32, #tpu.memory_space<hbm>>) target(%arg8 : memref<128x128xf32, #tpu.memory_space<vmem>>) offsets(%arg6 : memref<128xi32, #tpu.memory_space<vmem>>) semaphore(%arg10 : memref<!tpu.dma_semaphore, #tpu.memory_space<semaphore_mem>>)
      %dma_wait3A = arith.constant 0 : i32
      %dma_wait3A_175 = arith.constant 0 : i32
      %dma_wait3A_176 = tpu.memref_slice %arg3[%dma_wait3A, %dma_wait3A_175] : memref<500000x128xf32, #tpu.memory_space<hbm>> -> memref<500000x128xf32, #tpu.memory_space<hbm>>
      tpu.wait_indirect_dma semaphore(%arg10 : memref<!tpu.dma_semaphore, #tpu.memory_space<semaphore_mem>>) src(%dma_wait3A_176 : memref<500000x128xf32, #tpu.memory_space<hbm>>) dst(%arg8 : memref<128x128xf32, #tpu.memory_space<vmem>>)
      %get3A_177 = arith.constant 0 : index
      %get3A_178 = tpu.vector_load %arg7[%get3A_177] {strides = array<i32>} : memref<128xi32, #tpu.memory_space<vmem>>, vector<16xi32>,
      %get3A_179 = arith.constant 16 : index
      %get3A_180 = tpu.vector_load %arg7[%get3A_179] {strides = array<i32>} : memref<128xi32, #tpu.memory_space<vmem>>, vector<16xi32>,
      %get3A_181 = arith.constant 32 : index
      %get3A_182 = tpu.vector_load %arg7[%get3A_181] {strides = array<i32>} : memref<128xi32, #tpu.memory_space<vmem>>, vector<16xi32>,
      %get3A_183 = arith.constant 48 : index
      %get3A_184 = tpu.vector_load %arg7[%get3A_183] {strides = array<i32>} : memref<128xi32, #tpu.memory_space<vmem>>, vector<16xi32>,
      %get3A_185 = arith.constant 64 : index
      %get3A_186 = tpu.vector_load %arg7[%get3A_185] {strides = array<i32>} : memref<128xi32, #tpu.memory_space<vmem>>, vector<16xi32>,
      %get3A_187 = arith.constant 80 : index
      %get3A_188 = tpu.vector_load %arg7[%get3A_187] {strides = array<i32>} : memref<128xi32, #tpu.memory_space<vmem>>, vector<16xi32>,
      %get3A_189 = arith.constant 96 : index
      %get3A_190 = tpu.vector_load %arg7[%get3A_189] {strides = array<i32>} : memref<128xi32, #tpu.memory_space<vmem>>, vector<16xi32>,
      %get3A_191 = arith.constant 112 : index
      %get3A_192 = tpu.vector_load %arg7[%get3A_191] {strides = array<i32>} : memref<128xi32, #tpu.memory_space<vmem>>, vector<16xi32>,
      %mul3A_193 = arith.constant 128 : i32
      %mul3A_194 = arith.muli %rem3A_39, %mul3A_193 : i32
      %multiple_of3A_195 = tpu.assume_multiple %mul3A_194, 128 : i32
      "tpu.region"() ({
        %run_scoped3A = tpu.sem_alloc : memref<!tpu.dma_semaphore, #tpu.memory_space<semaphore_mem>>
        %dma_start3A_197 = arith.constant 0 : i32
        %dma_start3A_198 = tpu.memref_slice %arg4[%div3A_38, %dma_start3A_197, %multiple_of3A_195] : memref<200x64x4096xf32, #tpu.memory_space<hbm>> -> memref<1x64x128xf32, #tpu.memory_space<hbm>>
        %dma_start3A_199 = tpu.memref_squeeze %dma_start3A_198 : memref<1x64x128xf32, #tpu.memory_space<hbm>> -> memref<64x128xf32, #tpu.memory_space<hbm>>
        %dma_start3A_200 = arith.constant 0 : i32
        %dma_start3A_201 = tpu.memref_slice %arg4[%div3A_38, %dma_start3A_200, %multiple_of3A_195] : memref<200x64x4096xf32, #tpu.memory_space<hbm>> -> memref<1x64x128xf32, #tpu.memory_space<hbm>>
        %dma_start3A_202 = tpu.memref_squeeze %dma_start3A_201 : memref<1x64x128xf32, #tpu.memory_space<hbm>> -> memref<64x128xf32, #tpu.memory_space<hbm>>
        tpu.enqueue_dma source(%arg9 : memref<64x128xf32, #tpu.memory_space<vmem>>) target(%dma_start3A_202 : memref<64x128xf32, #tpu.memory_space<hbm>>) target_semaphore(%run_scoped3A : memref<!tpu.dma_semaphore, #tpu.memory_space<semaphore_mem>>)
        %dma_wait3A_203 = arith.constant 0 : i32
        %dma_wait3A_204 = tpu.memref_slice %arg4[%div3A_38, %dma_wait3A_203, %multiple_of3A_195] : memref<200x64x4096xf32, #tpu.memory_space<hbm>> -> memref<1x64x128xf32, #tpu.memory_space<hbm>>
        %dma_wait3A_205 = tpu.memref_squeeze %dma_wait3A_204 : memref<1x64x128xf32, #tpu.memory_space<hbm>> -> memref<64x128xf32, #tpu.memory_space<hbm>>
        %dma_wait3A_206 = arith.constant 0 : i32
        %dma_wait3A_207 = tpu.memref_slice %arg4[%div3A_38, %dma_wait3A_206, %multiple_of3A_195] : memref<200x64x4096xf32, #tpu.memory_space<hbm>> -> memref<1x64x128xf32, #tpu.memory_space<hbm>>
        %dma_wait3A_208 = tpu.memref_squeeze %dma_wait3A_207 : memref<1x64x128xf32, #tpu.memory_space<hbm>> -> memref<64x128xf32, #tpu.memory_space<hbm>>
        tpu.wait_dma2 semaphore(%run_scoped3A : memref<!tpu.dma_semaphore, #tpu.memory_space<semaphore_mem>>) src(%arg9 : memref<64x128xf32, #tpu.memory_space<vmem>>) dst(%dma_wait3A_208 : memref<64x128xf32, #tpu.memory_space<hbm>>)
        tpu.yield
      }) : () -> ()
      %scan3A_196 = arith.constant 0 : i32
      scf.yield %scan3A_196 : i32
    }
    %scan3A_32 = arith.constant 200 : i32
    return
  }
}

</mosaic_0001>

<sc_bundles>
// kernel: _emb2.4.cloned.1.call-start
scs
__scs_entry_jumppad:
0x0: {  	(pc) =	sbr.rel $0x88, $3  }
0x1: {  	(tag) =	ssettag $0x0;
	lr =	simm.s32 $0x1  }
0x2: {  	[smem:$0x3F9E] =	sst lr;
	_ =	strace $0xD0000000  }
0x3: {  	_ = 	snop  }
0x4: {  	_ = 	snop  }
0x5: {  	_ = 	snop  }
0x6: {  	_ = 	snop  }
0x7: {  	_ = 	snop  }
__scs_overlays_trampoline_lowered:
0x8: {  	[smem:$0x3FAD] =	sst s0  }
0x9: {  	[smem:$0x3FAE] =	sst s1  }
0xa: {  	[smem:$0x3FAF] =	sst s2  }
0xb: {  	[smem:$0x3FB0] =	sst s3  }
0xc: {  	[smem:$0x3FB1] =	sst s4  }
0xd: {  	[smem:$0x3FB2] =	sst s5  }
0xe: {  	[smem:$0x3FB3] =	sst s6  }
0xf: {  	[smem:$0x3FB4] =	sst s7  }
0x10: {  	[smem:$0x3FB5] =	sst s8  }
0x11: {  	[smem:$0x3FB6] =	sst s9;
	s0 =	simm.s32 @!p0 $0x0  }
0x12: {  	s1 =	sld [smem:$0x3F9C];
	s0 =	simm.s32 @p0 $0x1  }
0x13: {  	[smem:$0x3FB7] =	sst s0;
	s0 =	simm.s32 @!p1 $0x0  }
0x14: {  	s2 =	sld [smem:$0x3F9B];
	s0 =	simm.s32 @p1 $0x1  }
0x15: {  	[smem:$0x3FB8] =	sst s0;
	s0 =	simm.s32 @!p2 $0x0  }
0x16: {  	s3 =	sld [smem:$0x3FDB];
	s0 =	simm.s32 @p2 $0x1  }
0x17: {  	s4 =	simm.s32 $0x1BF5;
	[smem:$0x3FBA] =	sst s0  }
0x18: {  	s0 =	sld [smem:$0x3F9D];
	_ =	swait.ge [sflag:s4], $0x0  }
0x19: {  	s7 =	sld [smem:$0x3F9E]  }
0x1a: {  	s8 =	sadd.s32 $0xFFFFE003, lr  }
0x1b: {  	s9 =	sadd.s32 $0xFFFFFEF7, lr;
	s5 =	simm.s32 $0xFFFFFFFF;
	p2 =	slt.u32 s8, $0xFFFFF086  }
0x1c: {  	p1 =	slt.u32 s9, $0xF7A;
	s5 =	simm.s32 @!p2 $0x0  }
0x1d: {  	s5 =	simm.s32 @p1 $0x1;
	p0 =	seq.s32 s7, s2  }
0x1e: {  	s7 =	smul.u32 @!p0 $0xF7A, s2;
	p2 =	seq.s32 @!p0 s5, $0x0  }
0x1f: {  	s9 =	smul.u32 $0xF7A, s1;
	s8 =	simm.s32 @!p0 $0x1BF5;
	p2 =	por !p2, p0  }
0x20: {  	[sflag:s8] =	ssyncset.s32 @!p0 $0xFFFFF086;
	s6 =	sadd.s32 @!p0 s3, s7;
	s7 =	simm.s32 @!p0 $0x108  }
0x21: {  	s3 =	sadd.s32 s3, s9;
	s6 =	sadd.s32 @!p0 $0x88, s6;
	s7 =	simm.s32 @p2 $0x1082  }
0x22: {  	[simem:s7], [sflag:s8] =	dma.local @!p0 [hbm:s6], $0xF7A  }
0x23: {  	s9 =	sor.u32 $0xD0000000, s2;
	s6 =	simm.s32 $0x108;
	_ =	swait.ge @!p0 [sflag:s8], $0x0  }
0x24: {  	s3 =	sadd.s32 $0x88, s3;
	s6 =	simm.s32 @!p1 $0x1082;
	[sflag:s4] =	ssyncset.s32 $0xFFFFF086  }
0x25: {  	[simem:s6], [sflag:s4] =	dma.local [hbm:s3], $0xF7A  }
0x26: {  	[smem:$0x3F9E] =	sst s1;
	(tag) =	ssettag s2;
	_ =	strace s9  }
0x27: {  	s1 =	sld [smem:$0x3FAE]  }
0x28: {  	s2 =	sld [smem:$0x3FAF]  }
0x29: {  	s4 =	sld [smem:$0x3FB1]  }
0x2a: {  	p0 =	seq.s32 s5, $0x0;
	s5 =	sld [smem:$0x3FB2]  }
0x2b: {  	s6 =	sld [smem:$0x3FB3]  }
0x2c: {  	s7 =	sld [smem:$0x3FB4]  }
0x2d: {  	s3 =	simm.s32 $0x108;
	s8 =	sld [smem:$0x3FB5]  }
0x2e: {  	s3 =	simm.s32 @!p0 $0x1082;
	s9 =	sld [smem:$0x3FB6]  }
0x2f: {  	lr =	sadd.s32 s0, s3;
	s0 =	sld [smem:$0x3FAD]  }
0x30: {  	s3 =	sld [smem:$0x3FB0]  }
0x31: {  	[smem:$0x3FB9] =	sst s10  }
0x32: {  	s10 =	sld [smem:$0x3FB7];
	_ =	sdelay $0x3  }
0x33: {  	p0 =	seq.s32 s10, $0x1;
	s10 =	sld [smem:$0x3FB9];
	_ =	sdelay $0x3  }
0x34: {  	[smem:$0x3FB9] =	sst s10  }
0x35: {  	s10 =	sld [smem:$0x3FB8];
	_ =	sdelay $0x3  }
0x36: {  	p1 =	seq.s32 s10, $0x1;
	s10 =	sld [smem:$0x3FB9];
	_ =	sdelay $0x3  }
0x37: {  	[smem:$0x3FB9] =	sst s10  }
0x38: {  	s10 =	sld [smem:$0x3FBA]  }
0x39: {  	_ = 	snop;
	(pc) =	sbr.ind lr, $3  }
0x3a: {  	_ = 	snop  }
0x3b: {  	_ = 	snop  }
0x3c: {  	p2 =	seq.s32 s10, $0x1;
	s10 =	sld [smem:$0x3FB9]  }
0x3d: {  	_ =	shalt  }
0x3e: {  	_ =	shalt  }
0x3f: {  	_ =	shalt  }
0x40: {  	_ =	shalt  }
0x41: {  	_ =	shalt  }
0x42: {  	_ =	shalt  }
0x43: {  	_ =	shalt  }
0x44: {  	_ =	shalt  }
0x45: {  	_ =	shalt  }
0x46: {  	_ =	shalt  }
0x47: {  	_ =	shalt  }
0x48: {  	_ =	shalt  }
0x49: {  	_ =	shalt  }
0x4a: {  	_ =	shalt  }
0x4b: {  	_ =	shalt  }
0x4c: {  	_ =	shalt  }
0x4d: {  	_ =	shalt  }
0x4e: {  	_ =	shalt  }
0x4f: {  	_ =	shalt  }
0x50: {  	_ =	shalt  }
0x51: {  	_ =	shalt  }
0x52: {  	_ =	shalt  }
0x53: {  	_ =	shalt  }
0x54: {  	_ =	shalt  }
0x55: {  	_ =	shalt  }
0x56: {  	_ =	shalt  }
0x57: {  	_ =	shalt  }
0x58: {  	_ =	shalt  }
0x59: {  	_ =	shalt  }
0x5a: {  	_ =	shalt  }
0x5b: {  	_ =	shalt  }
0x5c: {  	_ =	shalt  }
0x5d: {  	_ =	shalt  }
0x5e: {  	_ =	shalt  }
0x5f: {  	_ =	shalt  }
0x60: {  	_ =	shalt  }
0x61: {  	_ =	shalt  }
0x62: {  	_ =	shalt  }
0x63: {  	_ =	shalt  }
0x64: {  	_ =	shalt  }
0x65: {  	_ =	shalt  }
0x66: {  	_ =	shalt  }
0x67: {  	_ =	shalt  }
0x68: {  	_ =	shalt  }
0x69: {  	_ =	shalt  }
0x6a: {  	_ =	shalt  }
0x6b: {  	_ =	shalt  }
0x6c: {  	_ =	shalt  }
0x6d: {  	_ =	shalt  }
0x6e: {  	_ =	shalt  }
0x6f: {  	_ =	shalt  }
0x70: {  	_ =	shalt  }
0x71: {  	_ =	shalt  }
0x72: {  	_ =	shalt  }
0x73: {  	_ =	shalt  }
0x74: {  	_ =	shalt  }
0x75: {  	_ =	shalt  }
0x76: {  	_ =	shalt  }
0x77: {  	_ =	shalt  }
0x78: {  	_ =	shalt  }
0x79: {  	_ =	shalt  }
0x7a: {  	_ =	shalt  }
0x7b: {  	_ =	shalt  }
0x7c: {  	_ =	shalt  }
0x7d: {  	_ =	shalt  }
0x7e: {  	_ =	shalt  }
0x7f: {  	_ =	shalt  }
0x80: {  	_ =	shalt  }
0x81: {  	_ =	shalt  }
0x82: {  	_ =	shalt  }
0x83: {  	_ =	shalt  }
0x84: {  	_ =	shalt  }
0x85: {  	_ =	shalt  }
0x86: {  	_ =	shalt  }
0x87: {  	_ =	shalt  }
.Lfunc_end0:
.L_simem_size_0:
called_computation_lowered:
.L_overlay_start_0:
0x88: {  	s2 =	sld [smem:$0x3FD9]  }
0x89: {  	s3 =	sld [smem:$0x3FFE];
	_ =	sdelay $0x1  }
0x8a: {  	s1 =	srdreg.scid  }
0x8b: {  	s0 =	sand.u32 $0x1, s1  }
0x8c: {  	s17 =	sshll.u32 s0, $0xA;
	s2 =	sadd.s32 s3, s2  }
0x8d: {  	s2 =	sadd.s32 s2, s17  }
0x8e: {  	[smem:$0x3FC5] =	sst s2  }
0x8f: {  	_ = 	snop  }
0x90: {  	s2 =	sld [smem:$0x3FC8]  }
0x91: {  	s18 =	sld [smem:$0x3FC7];
	(tm) =	ssettm $0x1  }
0x92: {  	s4 =	sld [smem:$0x3FFB];
	_ =	sdelay $0x3  }
0x93: {  	_ =	strace s4  }
0x94: {  	s4 =	sld [smem:$0x3FFC];
	_ =	sdelay $0x3  }
0x95: {  	_ =	strace s4  }
0x96: {  	s4 =	sld [smem:$0x3FFD];
	_ =	sdelay $0x3  }
0x97: {  	_ =	strace s4  }
0x98: {  	_ =	strace $0x8FFFFFFF  }
0x99: {  	s19 =	sld [smem:$0x3FDB];
	_ =	sdelay $0x1  }
0x9a: {  	s5 =	simm.s32 $_scs_section_size  }
0x9b: {  	s6 =	simm.s32 $_size__tile_overlayer_lowered;
	s7 =	simm.s32 $_tile_overlayer_lowered  }
0x9c: {  	s22 =	simm.s32 $0x1BFF;
	s21 =	sshll.u32 s7, $0x1;
	s4 =	sadd.s32 s5, s19  }
0x9d: {  	s8 =	simm.s32 $0x0;
	s20 =	sshll.u32 s6, $0x1;
	s6 =	sadd.s32 s21, s4  }
0x9e: {  	[timem:s8], [sflag:s22] =	dma.local [hbm:s6], s20  }
0x9f: {  	_ =	swait.ge [sflag:s22], s20  }
0xa0: {  	s5 =	ssub.s32 $0x0, s20;
	[sflag:s22] =	ssyncset.done $0x0  }
0xa1: {  	[sflag:s22] =	ssyncadd.s32 s5;
	_ =	sdelay $0x1  }
0xa2: {  	s23 =	simm.s32 $0x1B8B  }
0xa3: {  	_ =	swait.ge [sflag:s23], $0x1  }
0xa4: {  	[sflag:s23] =	ssyncset.done $0x0  }
0xa5: {  	s25 =	simm.s32 $0x1B8E;
	s24 =	sld [smem:$0x3FFE];
	[sflag:s23] =	ssyncadd.s32 $0xFFFFFFFF  }
0xa6: {  	s26 =	simm.s32 $execute0_lowered;
	[smem:$0x3FD2] =	sst s25  }
0xa7: {  	s6 =	sshll.u32 s26, $0x1;
	_ =	strace $0x80000046;
	[dreg:$0x1] =	wrdreg $0xFFFFFFFF  }
0xa8: {  	s28 =	simm.s32 $_size_execute0_lowered;
	s4 =	sadd.s32 s4, s6;
	[dreg:$0x0] =	wrdreg $0x0  }
0xa9: {  	s6 =	sshll.u32 s28, $0x1;
	[dreg:$0x2] =	wrdreg s4  }
0xaa: {  	[dreg:$0x3] =	wrdreg s6  }
0xab: {  	[dreg:$0x4] =	wrdreg $0xC0  }
0xac: {  	_ =	task [dreg:s8], $0x5FFFF  }
0xad: {  	[dreg:$0x1] =	wrdreg $0xFFFFFFFF  }
0xae: {  	[dreg:$0x0] =	wrdreg $0x60  }
0xaf: {  	[dreg:$0x2] =	wrdreg s2  }
0xb0: {  	[dreg:$0x3] =	wrdreg s18  }
0xb1: {  	[dreg:$0x4] =	wrdreg s24  }
0xb2: {  	[dreg:$0x5] =	wrdreg $0x9  }
0xb3: {  	_ =	task.clear_ibuf [dreg:s8], $0x6FFFF;
	_ =	strace $0x90000046  }
0xb4: {  	s29 =	simm.s32 $0x9;
	_ =	strace $0x80000048  }
0xb5: {  	_ =	swait.ge [sflag:s29], $0x1  }
0xb6: {  	[sflag:s29] =	ssyncadd.s32 $0xFFFFFFFF  }
0xb7: {  	_ =	strace $0x90000048  }
0xb8: {  	_ =	sfence  }
0xb9: {  	s30 =	sld [smem:$0x0];
	_ =	sdelay $0x2  }
0xba: {  	s31 =	sshll.u32 s1, $0xD;
	s1 =	sshrl.u32 s1, $0x2  }
0xbb: {  	s3 =	sand.u32 $0x4000, s31;
	s1 =	sadd.s32 s1, s30  }
0xbc: {  	s0 =	sor.u32 s3, s0;
	s1 =	sshll.u32 s1, $0x11  }
0xbd: {  	s0 =	sor.u32 s1, s0  }
0xbe: {  	s0 =	sadd.s32 $0x8F2B, s0  }
0xbf: {  	[sflag:s0] =	ssyncadd.remote.s32 $0x1  }
0xc0: {  	_ =	sfence.sel $0xFFFF  }
0xc1: {  	[dreg:$0x0] =	wrdreg $0xFFFFFFFF;
	(pc) =	sbr.abs _section_cstart, $3  }
0xc2: {  	[dreg:$0x1] =	wrdreg $0xFFFFFFFF  }
0xc3: {  	_ =	task.clear_ibuf [dreg:s8], $0x2FFFF;
	_ =	strace $0x9FFFFFFF  }
0xc4: {  	(tm) =	ssettm $0x7FFFFFFF  }
0xc5: {  	_ =	shalt  }
tec
execute0_lowered:
.L_overlay_start_1:
0x0: {  	(tag) =	ssettag $0x1  }
0x1: {  	s6 =	rddreg [dreg:$0x0]  }
0x2: {  	s1 =	rddreg [dreg:$0x1]  }
0x3: {  	s5 =	rddreg [dreg:$0x2]  }
0x4: {  	s0 =	rddreg [dreg:$0x3];
	s3 =	simm.s32 $0x0  }
0x5: {  	s2 =	stileid.u32;
	s4 =	srdreg.scid;
	s12 =	simm.s32 $0x8000  }
0x6: {  	[smem:$0x7FF] =	sst s3;
	s7 =	sand.u32 $0x1, s4;
	s28 =	sshll.u32 s2, $0x1  }
0x7: {  	s8 =	sshll.u32 s2, $0xD;
	s4 =	simm.s32 $0x3E;
	s11 =	sshll.u32 s2, $0xA  }
0x8: {  	_ =	strace $0x80000047;
	s9 =	ssub.s32 $0x2, s7;
	s13 =	sor.u32 s7, s28  }
0x9: {  	s8 =	sadd.s32 s8, s5;
	s5 =	sadd.s32 $0x7A1800, s5;
	s29 =	sshll.u32 s7, $0xC  }
0xa: {  	s30 =	sadd.s32 s11, s6;
	s31 =	sshll.u32 s7, $0x9;
	s11 =	simm.s32 $0x1  }
0xb: {  	s10 =	sshrl.u32 s9, $0x1;
	p0 =	seq.s32 s13, $0x0;
	s8 =	sadd.s32 s29, s8  }
0xc: {  	s9 =	ssub.s32 s9, s10;
	s4 =	simm.s32 @!p0 $0x3D;
	s7 =	sadd.s32 $0x800, s8  }
0xd: {  	s8 =	sadd.s32 s31, s30;
	s10 =	simm.s32 $0x7A1400;
	p0 =	sne.s32 s13, $0x0  }
0xe: {  	s13 =	simm.s32 $0x0;
	s6 =	smax.u32 s9, $0x1;
	s9 =	simm.s32 $0x1000  }
.LBB2_1:
0xf: {  	[tilespmem:s3], [sflag:$0x1] =	stream.strided.gather [hbm4b:s8+s9], $0x8000, s10, s9, $0x38;
	[tilespmem:$0x11000] =	vst v63  }
0x10: {  	p1 =	sne.s32 s4, $0x1;
	_ =	swait.ge [sflag:s11], $0x8000  }
.Ltmp0:
0x11: {  	[sflag:s11] =	ssyncset.done $0x0;
	(pc) =	sbr.rel @!p1 .LBB2_3-.Ltmp0, $4  }
0x12: {  	[sflag:s11] =	ssyncadd.s32 $0xFFFF8000  }
0x13: {  	[hbm4b:s7+s3] =	stream.linear.scatter [tilespmem:s12], [sflag:$0x1], $0x8000, $0x38;
	[tilespmem:$0x11000] =	vst v63  }
0x14: {  	s14 =	sadd.s32 $0xFFFFFFFF, s4;
	_ =	swait.ge [sflag:s11], $0x8000  }
0x15: {  	s15 =	smov.u32 s7;
	s16 =	smov.u32 s8;
	[sflag:s11] =	ssyncset.done $0x0  }
.LBB2_2:
0x16: {  	[sflag:s11] =	ssyncadd.s32 $0xFFFF8000;
	s15 =	sadd.s32 $0x20000, s15;
	s16 =	sadd.s32 $0x4000, s16  }
0x17: {  	[tilespmem:s3], [sflag:$0x1] =	stream.strided.gather [hbm4b:s16+s9], $0x8000, s10, s9, $0x38;
	[tilespmem:$0x11000] =	vst v63  }
0x18: {  	p1 =	sne.s32 s14, $0x1;
	s14 =	sadd.s32 $0xFFFFFFFF, s14;
	_ =	swait.ge [sflag:s11], $0x8000  }
.Ltmp1:
0x19: {  	[sflag:s11] =	ssyncset.done $0x0;
	(pc) =	sbr.rel @p1 .LBB2_2-.Ltmp1, $4  }
0x1a: {  	[sflag:s11] =	ssyncadd.s32 $0xFFFF8000  }
0x1b: {  	[hbm4b:s15+s3] =	stream.linear.scatter [tilespmem:s12], [sflag:$0x1], $0x8000, $0x38;
	[tilespmem:$0x11000] =	vst v63  }
0x1c: {  	_ =	swait.ge [sflag:s11], $0x8000  }
0x1d: {  	[sflag:s11] =	ssyncset.done $0x0  }
.LBB2_3:
0x1e: {  	[sflag:s11] =	ssyncadd.s32 $0xFFFF8000  }
0x1f: {  	s14 =	simm.s32 @!p0 $0x0;
	s15 =	simm.s32 @!p0 $0x10000;
	s16 =	simm.s32 @!p0 $0x1  }
0x20: {  	[tilespmem:s15], [sflag:$0x1] =	stream.linear.gather @!p0 [hbm4b:s1+s14], $0x1000, $0x38;
	[tilespmem:$0x11000] =	vst v63  }
0x21: {  	s13 =	sadd.s32 $0x1, s13;
	_ =	swait.ge @!p0 [sflag:s16], $0x1000  }
0x22: {  	p1 =	sne.s32 s13, s6;
	[sflag:s16] =	ssyncset.done @!p0 $0x0  }
.Ltmp2:
0x23: {  	[sflag:s16] =	ssyncadd.s32 @!p0 $0xFFFFF000;
	(pc) =	sbr.rel @p1 .LBB2_1-.Ltmp2, $4  }
0x24: {  	[hbm4b:s5+s14] =	stream.linear.scatter @!p0 [tilespmem:s15], [sflag:$0x1], $0x1000, $0x38;
	[tilespmem:$0x11000] =	vst v63  }
0x25: {  	_ =	swait.ge @!p0 [sflag:s16], $0x1000  }
0x26: {  	[sflag:s16] =	ssyncset.done @!p0 $0x0  }
0x27: {  	[sflag:s16] =	ssyncadd.s32 @!p0 $0xFFFFF000  }
0x28: {  	_ =	sfence.sel $0x180000  }
0x29: {  	[bflag:$0x0] =	sbarrier.arrive $0xFFFF  }
0x2a: {  	p0 =	sne.s32 s2, $0x0;
	_ =	strace $0x90000047  }
0x2b: {  	s0 =	sadd.s32 @!p0 $0x100000, s0;
	[bflag:$0x2] =	sbarrier.arrive $0xFFFF  }
0x2c: {  	[sflag:s0] =	ssyncadd.tile.s32 @!p0 $0x1;
	_ =	shalt  }
.Lfunc_end2:
_tile_overlayer_lowered:
.L_overlay_start_2:
0x2d: {  	(tag) =	ssettag $0x2  }
0x2e: {  	s0 =	rddreg [dreg:$0x0];
	s2 =	stileid.u32  }
0x2f: {  	s1 =	rddreg [dreg:$0x1];
	p0 =	sne.s32 s2, $0x0  }
0x30: {  	s3 =	rddreg [dreg:$0x2];
	[bflag:$0x3] =	sbarrier.arrive $0xFFFF;
	s2 =	simm.s32 @!p0 $0x1C01  }
0x31: {  	[timem:s3], [sflag:s2] =	dma.local @!p0 [hbm:s0], s1  }
0x32: {  	s0 =	simm.s32 @!p0 $0x1  }
0x33: {  	_ =	swait.ge @!p0 [sflag:s0], s1  }
0x34: {  	s1 =	ssub.s32 @!p0 $0x0, s1;
	[sflag:s0] =	ssyncset.done @!p0 $0x0  }
0x35: {  	[sflag:s0] =	ssyncadd.s32 @!p0 s1  }
0x36: {  	[bflag:$0x3] =	sbarrier.arrive $0xFFFF  }
0x37: {  	_ =	shalt  }

// kernel: _emb2.7.cloned.1.call-start
scs
__scs_entry_jumppad:
0x0: {  	(pc) =	sbr.rel $0x88, $3  }
0x1: {  	(tag) =	ssettag $0x0;
	lr =	simm.s32 $0x1  }
0x2: {  	[smem:$0x3F9E] =	sst lr;
	_ =	strace $0xD0000000  }
0x3: {  	_ = 	snop  }
0x4: {  	_ = 	snop  }
0x5: {  	_ = 	snop  }
0x6: {  	_ = 	snop  }
0x7: {  	_ = 	snop  }
__scs_overlays_trampoline_lowered:
0x8: {  	[smem:$0x3FAD] =	sst s0  }
0x9: {  	[smem:$0x3FAE] =	sst s1  }
0xa: {  	[smem:$0x3FAF] =	sst s2  }
0xb: {  	[smem:$0x3FB0] =	sst s3  }
0xc: {  	[smem:$0x3FB1] =	sst s4  }
0xd: {  	[smem:$0x3FB2] =	sst s5  }
0xe: {  	[smem:$0x3FB3] =	sst s6  }
0xf: {  	[smem:$0x3FB4] =	sst s7  }
0x10: {  	[smem:$0x3FB5] =	sst s8  }
0x11: {  	[smem:$0x3FB6] =	sst s9;
	s0 =	simm.s32 @!p0 $0x0  }
0x12: {  	s1 =	sld [smem:$0x3F9C];
	s0 =	simm.s32 @p0 $0x1  }
0x13: {  	[smem:$0x3FB7] =	sst s0;
	s0 =	simm.s32 @!p1 $0x0  }
0x14: {  	s2 =	sld [smem:$0x3F9B];
	s0 =	simm.s32 @p1 $0x1  }
0x15: {  	[smem:$0x3FB8] =	sst s0;
	s0 =	simm.s32 @!p2 $0x0  }
0x16: {  	s3 =	sld [smem:$0x3FDB];
	s0 =	simm.s32 @p2 $0x1  }
0x17: {  	s4 =	simm.s32 $0x1BF5;
	[smem:$0x3FBA] =	sst s0  }
0x18: {  	s0 =	sld [smem:$0x3F9D];
	_ =	swait.ge [sflag:s4], $0x0  }
0x19: {  	s7 =	sld [smem:$0x3F9E]  }
0x1a: {  	s8 =	sadd.s32 $0xFFFFE003, lr  }
0x1b: {  	s9 =	sadd.s32 $0xFFFFFEF7, lr;
	s5 =	simm.s32 $0xFFFFFFFF;
	p2 =	slt.u32 s8, $0xFFFFF086  }
0x1c: {  	p1 =	slt.u32 s9, $0xF7A;
	s5 =	simm.s32 @!p2 $0x0  }
0x1d: {  	s5 =	simm.s32 @p1 $0x1;
	p0 =	seq.s32 s7, s2  }
0x1e: {  	s7 =	smul.u32 @!p0 $0xF7A, s2;
	p2 =	seq.s32 @!p0 s5, $0x0  }
0x1f: {  	s9 =	smul.u32 $0xF7A, s1;
	s8 =	simm.s32 @!p0 $0x1BF5;
	p2 =	por !p2, p0  }
0x20: {  	[sflag:s8] =	ssyncset.s32 @!p0 $0xFFFFF086;
	s6 =	sadd.s32 @!p0 s3, s7;
	s7 =	simm.s32 @!p0 $0x108  }
0x21: {  	s3 =	sadd.s32 s3, s9;
	s6 =	sadd.s32 @!p0 $0x88, s6;
	s7 =	simm.s32 @p2 $0x1082  }
0x22: {  	[simem:s7], [sflag:s8] =	dma.local @!p0 [hbm:s6], $0xF7A  }
0x23: {  	s9 =	sor.u32 $0xD0000000, s2;
	s6 =	simm.s32 $0x108;
	_ =	swait.ge @!p0 [sflag:s8], $0x0  }
0x24: {  	s3 =	sadd.s32 $0x88, s3;
	s6 =	simm.s32 @!p1 $0x1082;
	[sflag:s4] =	ssyncset.s32 $0xFFFFF086  }
0x25: {  	[simem:s6], [sflag:s4] =	dma.local [hbm:s3], $0xF7A  }
0x26: {  	[smem:$0x3F9E] =	sst s1;
	(tag) =	ssettag s2;
	_ =	strace s9  }
0x27: {  	s1 =	sld [smem:$0x3FAE]  }
0x28: {  	s2 =	sld [smem:$0x3FAF]  }
0x29: {  	s4 =	sld [smem:$0x3FB1]  }
0x2a: {  	p0 =	seq.s32 s5, $0x0;
	s5 =	sld [smem:$0x3FB2]  }
0x2b: {  	s6 =	sld [smem:$0x3FB3]  }
0x2c: {  	s7 =	sld [smem:$0x3FB4]  }
0x2d: {  	s3 =	simm.s32 $0x108;
	s8 =	sld [smem:$0x3FB5]  }
0x2e: {  	s3 =	simm.s32 @!p0 $0x1082;
	s9 =	sld [smem:$0x3FB6]  }
0x2f: {  	lr =	sadd.s32 s0, s3;
	s0 =	sld [smem:$0x3FAD]  }
0x30: {  	s3 =	sld [smem:$0x3FB0]  }
0x31: {  	[smem:$0x3FB9] =	sst s10  }
0x32: {  	s10 =	sld [smem:$0x3FB7];
	_ =	sdelay $0x3  }
0x33: {  	p0 =	seq.s32 s10, $0x1;
	s10 =	sld [smem:$0x3FB9];
	_ =	sdelay $0x3  }
0x34: {  	[smem:$0x3FB9] =	sst s10  }
0x35: {  	s10 =	sld [smem:$0x3FB8];
	_ =	sdelay $0x3  }
0x36: {  	p1 =	seq.s32 s10, $0x1;
	s10 =	sld [smem:$0x3FB9];
	_ =	sdelay $0x3  }
0x37: {  	[smem:$0x3FB9] =	sst s10  }
0x38: {  	s10 =	sld [smem:$0x3FBA]  }
0x39: {  	_ = 	snop;
	(pc) =	sbr.ind lr, $3  }
0x3a: {  	_ = 	snop  }
0x3b: {  	_ = 	snop  }
0x3c: {  	p2 =	seq.s32 s10, $0x1;
	s10 =	sld [smem:$0x3FB9]  }
0x3d: {  	_ =	shalt  }
0x3e: {  	_ =	shalt  }
0x3f: {  	_ =	shalt  }
0x40: {  	_ =	shalt  }
0x41: {  	_ =	shalt  }
0x42: {  	_ =	shalt  }
0x43: {  	_ =	shalt  }
0x44: {  	_ =	shalt  }
0x45: {  	_ =	shalt  }
0x46: {  	_ =	shalt  }
0x47: {  	_ =	shalt  }
0x48: {  	_ =	shalt  }
0x49: {  	_ =	shalt  }
0x4a: {  	_ =	shalt  }
0x4b: {  	_ =	shalt  }
0x4c: {  	_ =	shalt  }
0x4d: {  	_ =	shalt  }
0x4e: {  	_ =	shalt  }
0x4f: {  	_ =	shalt  }
0x50: {  	_ =	shalt  }
0x51: {  	_ =	shalt  }
0x52: {  	_ =	shalt  }
0x53: {  	_ =	shalt  }
0x54: {  	_ =	shalt  }
0x55: {  	_ =	shalt  }
0x56: {  	_ =	shalt  }
0x57: {  	_ =	shalt  }
0x58: {  	_ =	shalt  }
0x59: {  	_ =	shalt  }
0x5a: {  	_ =	shalt  }
0x5b: {  	_ =	shalt  }
0x5c: {  	_ =	shalt  }
0x5d: {  	_ =	shalt  }
0x5e: {  	_ =	shalt  }
0x5f: {  	_ =	shalt  }
0x60: {  	_ =	shalt  }
0x61: {  	_ =	shalt  }
0x62: {  	_ =	shalt  }
0x63: {  	_ =	shalt  }
0x64: {  	_ =	shalt  }
0x65: {  	_ =	shalt  }
0x66: {  	_ =	shalt  }
0x67: {  	_ =	shalt  }
0x68: {  	_ =	shalt  }
0x69: {  	_ =	shalt  }
0x6a: {  	_ =	shalt  }
0x6b: {  	_ =	shalt  }
0x6c: {  	_ =	shalt  }
0x6d: {  	_ =	shalt  }
0x6e: {  	_ =	shalt  }
0x6f: {  	_ =	shalt  }
0x70: {  	_ =	shalt  }
0x71: {  	_ =	shalt  }
0x72: {  	_ =	shalt  }
0x73: {  	_ =	shalt  }
0x74: {  	_ =	shalt  }
0x75: {  	_ =	shalt  }
0x76: {  	_ =	shalt  }
0x77: {  	_ =	shalt  }
0x78: {  	_ =	shalt  }
0x79: {  	_ =	shalt  }
0x7a: {  	_ =	shalt  }
0x7b: {  	_ =	shalt  }
0x7c: {  	_ =	shalt  }
0x7d: {  	_ =	shalt  }
0x7e: {  	_ =	shalt  }
0x7f: {  	_ =	shalt  }
0x80: {  	_ =	shalt  }
0x81: {  	_ =	shalt  }
0x82: {  	_ =	shalt  }
0x83: {  	_ =	shalt  }
0x84: {  	_ =	shalt  }
0x85: {  	_ =	shalt  }
0x86: {  	_ =	shalt  }
0x87: {  	_ =	shalt  }
.Lfunc_end0:
.L_simem_size_0:
called_computation.1_lowered:
.L_overlay_start_0:
0x88: {  	s2 =	sld [smem:$0x3FD9]  }
0x89: {  	s3 =	sld [smem:$0x3FFE];
	_ =	sdelay $0x1  }
0x8a: {  	s1 =	srdreg.scid  }
0x8b: {  	s0 =	sand.u32 $0x1, s1  }
0x8c: {  	s17 =	sshll.u32 s0, $0xA;
	s2 =	sadd.s32 s3, s2  }
0x8d: {  	s2 =	sadd.s32 s2, s17  }
0x8e: {  	[smem:$0x3FC5] =	sst s2  }
0x8f: {  	_ = 	snop  }
0x90: {  	s2 =	sld [smem:$0x3FC9]  }
0x91: {  	s18 =	sld [smem:$0x3FD0];
	(tm) =	ssettm $0x1  }
0x92: {  	s4 =	sld [smem:$0x3FFB];
	_ =	sdelay $0x3  }
0x93: {  	_ =	strace s4  }
0x94: {  	s4 =	sld [smem:$0x3FFC];
	_ =	sdelay $0x3  }
0x95: {  	_ =	strace s4  }
0x96: {  	s4 =	sld [smem:$0x3FFD];
	_ =	sdelay $0x3  }
0x97: {  	_ =	strace s4  }
0x98: {  	_ =	strace $0x8FFFFFFF  }
0x99: {  	s19 =	sld [smem:$0x3FDB];
	_ =	sdelay $0x1  }
0x9a: {  	s5 =	simm.s32 $_scs_section_size  }
0x9b: {  	s6 =	simm.s32 $_size__tile_overlayer_lowered;
	s7 =	simm.s32 $_tile_overlayer_lowered  }
0x9c: {  	s22 =	simm.s32 $0x1BFF;
	s21 =	sshll.u32 s7, $0x1;
	s4 =	sadd.s32 s5, s19  }
0x9d: {  	s8 =	simm.s32 $0x0;
	s20 =	sshll.u32 s6, $0x1;
	s6 =	sadd.s32 s21, s4  }
0x9e: {  	[timem:s8], [sflag:s22] =	dma.local [hbm:s6], s20  }
0x9f: {  	_ =	swait.ge [sflag:s22], s20  }
0xa0: {  	s5 =	ssub.s32 $0x0, s20;
	[sflag:s22] =	ssyncset.done $0x0  }
0xa1: {  	[sflag:s22] =	ssyncadd.s32 s5;
	_ =	sdelay $0x1  }
0xa2: {  	s23 =	simm.s32 $0x1B8B  }
0xa3: {  	_ =	swait.ge [sflag:s23], $0x1  }
0xa4: {  	[sflag:s23] =	ssyncset.done $0x0  }
0xa5: {  	s25 =	simm.s32 $0x1B8E;
	s24 =	sld [smem:$0x3FFE];
	[sflag:s23] =	ssyncadd.s32 $0xFFFFFFFF  }
0xa6: {  	s26 =	simm.s32 $execute0_lowered;
	[smem:$0x3FD2] =	sst s25  }
0xa7: {  	s6 =	sshll.u32 s26, $0x1;
	_ =	strace $0x80000049;
	[dreg:$0x1] =	wrdreg $0xFFFFFFFF  }
0xa8: {  	s28 =	simm.s32 $_size_execute0_lowered;
	s4 =	sadd.s32 s4, s6;
	[dreg:$0x0] =	wrdreg $0x0  }
0xa9: {  	s6 =	sshll.u32 s28, $0x1;
	[dreg:$0x2] =	wrdreg s4  }
0xaa: {  	[dreg:$0x3] =	wrdreg s6  }
0xab: {  	[dreg:$0x4] =	wrdreg $0xC0  }
0xac: {  	_ =	task [dreg:s8], $0x5FFFF  }
0xad: {  	[dreg:$0x1] =	wrdreg $0xFFFFFFFF  }
0xae: {  	[dreg:$0x0] =	wrdreg $0x60  }
0xaf: {  	[dreg:$0x2] =	wrdreg s2  }
0xb0: {  	[dreg:$0x3] =	wrdreg s24  }
0xb1: {  	[dreg:$0x4] =	wrdreg s18  }
0xb2: {  	[dreg:$0x5] =	wrdreg $0x9  }
0xb3: {  	_ =	task.clear_ibuf [dreg:s8], $0x6FFFF;
	_ =	strace $0x90000049  }
0xb4: {  	s29 =	simm.s32 $0x9;
	_ =	strace $0x8000004B  }
0xb5: {  	_ =	swait.ge [sflag:s29], $0x1  }
0xb6: {  	[sflag:s29] =	ssyncadd.s32 $0xFFFFFFFF  }
0xb7: {  	_ =	strace $0x9000004B  }
0xb8: {  	_ =	sfence  }
0xb9: {  	s30 =	sld [smem:$0x0];
	_ =	sdelay $0x2  }
0xba: {  	s31 =	sshll.u32 s1, $0xD;
	s1 =	sshrl.u32 s1, $0x2  }
0xbb: {  	s3 =	sand.u32 $0x4000, s31;
	s1 =	sadd.s32 s1, s30  }
0xbc: {  	s0 =	sor.u32 s3, s0;
	s1 =	sshll.u32 s1, $0x11  }
0xbd: {  	s0 =	sor.u32 s1, s0  }
0xbe: {  	s0 =	sadd.s32 $0x8F2B, s0  }
0xbf: {  	[sflag:s0] =	ssyncadd.remote.s32 $0x1  }
0xc0: {  	_ =	sfence.sel $0xFFFF  }
0xc1: {  	[dreg:$0x0] =	wrdreg $0xFFFFFFFF;
	(pc) =	sbr.abs _section_cstart, $3  }
0xc2: {  	[dreg:$0x1] =	wrdreg $0xFFFFFFFF  }
0xc3: {  	_ =	task.clear_ibuf [dreg:s8], $0x2FFFF;
	_ =	strace $0x9FFFFFFF  }
0xc4: {  	(tm) =	ssettm $0x7FFFFFFF  }
0xc5: {  	_ =	shalt  }
tec
execute0_lowered:
.L_overlay_start_1:
0x0: {  	(tag) =	ssettag $0x1  }
0x1: {  	s1 =	srdreg.scid;
	s5 =	rddreg [dreg:$0x0]  }
0x2: {  	s0 =	stileid.u32;
	s6 =	rddreg [dreg:$0x1]  }
0x3: {  	s2 =	rddreg [dreg:$0x2];
	s3 =	simm.s32 $0x0;
	s14 =	simm.s32 $0x400  }
0x4: {  	s15 =	simm.s32 $0x8000;
	s16 =	simm.s32 $0xA500;
	s8 =	smul.u32 $0x64000, s0  }
0x5: {  	s17 =	simm.s32 $0x0;
	s4 =	sand.u32 $0x1, s1;
	s11 =	smul.u32 $0xC800, s0  }
0x6: {  	s30 =	sshll.u32 s0, $0x1;
	[smem:$0x7FF] =	sst s3;
	s9 =	smul.u32 $0x32000, s4  }
0x7: {  	s1 =	sor.u32 s4, s30;
	s10 =	ssub.s32 $0x2, s4;
	s13 =	smul.u32 $0x6400, s4  }
0x8: {  	s4 =	sadd.s32 $0x800, s6;
	s7 =	smul.u32 $0xC80, s1;
	s12 =	sshrl.u32 s10, $0x1  }
0x9: {  	s1 =	rddreg [dreg:$0x3];
	_ =	strace $0x8000004A;
	s31 =	ssub.s32 s10, s12  }
0xa: {  	s10 =	simm.s32 $0x80;
	s12 =	simm.s32 $0x6500;
	s5 =	sadd.s32 s5, s7  }
0xb: {  	s6 =	smax.u32 s31, $0x1;
	s7 =	sadd.s32 s9, s8;
	s8 =	sadd.s32 s13, s11  }
0xc: {  	s9 =	simm.s32 $0x2;
	s11 =	simm.s32 $0x6400;
	s13 =	simm.s32 $0x1  }
.LBB2_1:
0xd: {  	[tilespmem:s3], [sflag:$0x2] =	stream.linear.gather [hbm4b:s5+s3], $0x6400, $0x38;
	[tilespmem:$0xC500] =	vst v63  }
0xe: {  	_ =	swait.ge [sflag:s9], $0x6400  }
0xf: {  	[sflag:s9] =	ssyncset.done $0x0  }
0x10: {  	s18 =	simm.s32 $0x40;
	[sflag:s9] =	ssyncadd.s32 $0xFFFF9C00  }
0x11: {  	v0 =	vld [tilespmem:s18+$0xFFFFFFC0];
	_ =	sdelay $0x4  }
0x12: {  	v1 =	vshrl.u32 v0, $0x1;
	v0 =	vshll.u32 v0, $0x6  }
0x13: {  	[tilespmem:$0x6400] =	vst v1;
	v0 =	vand.u32 $0x40, v0  }
0x14: {  	[tilespmem:$0x6480] =	vst v0  }
0x15: {  	v0 =	vld [tilespmem:s18+$0xFFFFFFD0];
	_ =	sdelay $0x4  }
0x16: {  	v57 =	vshrl.u32 v0, $0x1;
	v0 =	vshll.u32 v0, $0x6  }
0x17: {  	[tilespmem:$0x6410] =	vst v57;
	v0 =	vand.u32 $0x40, v0  }
0x18: {  	[tilespmem:$0x6490] =	vst v0  }
0x19: {  	v0 =	vld [tilespmem:s18+$0xFFFFFFE0];
	_ =	sdelay $0x4  }
0x1a: {  	v58 =	vshrl.u32 v0, $0x1;
	v0 =	vshll.u32 v0, $0x6  }
0x1b: {  	[tilespmem:$0x6420] =	vst v58;
	v0 =	vand.u32 $0x40, v0  }
0x1c: {  	[tilespmem:$0x64A0] =	vst v0  }
0x1d: {  	v0 =	vld [tilespmem:s18+$0xFFFFFFF0];
	_ =	sdelay $0x4  }
0x1e: {  	v59 =	vshrl.u32 v0, $0x1;
	v0 =	vshll.u32 v0, $0x6  }
0x1f: {  	[tilespmem:$0x6430] =	vst v59;
	v0 =	vand.u32 $0x40, v0  }
0x20: {  	[tilespmem:$0x64B0] =	vst v0  }
0x21: {  	v0 =	vld [tilespmem:s18+$0x0];
	_ =	sdelay $0x4  }
0x22: {  	v60 =	vshrl.u32 v0, $0x1;
	v0 =	vshll.u32 v0, $0x6  }
0x23: {  	[tilespmem:$0x6440] =	vst v60;
	v0 =	vand.u32 $0x40, v0  }
0x24: {  	[tilespmem:$0x64C0] =	vst v0  }
0x25: {  	v0 =	vld [tilespmem:s18+$0x10];
	_ =	sdelay $0x4  }
0x26: {  	v61 =	vshrl.u32 v0, $0x1;
	v0 =	vshll.u32 v0, $0x6  }
0x27: {  	[tilespmem:$0x6450] =	vst v61;
	v0 =	vand.u32 $0x40, v0  }
0x28: {  	[tilespmem:$0x64D0] =	vst v0  }
0x29: {  	v0 =	vld [tilespmem:s18+$0x20];
	_ =	sdelay $0x4  }
0x2a: {  	v62 =	vshrl.u32 v0, $0x1;
	v0 =	vshll.u32 v0, $0x6  }
0x2b: {  	[tilespmem:$0x6460] =	vst v62;
	v0 =	vand.u32 $0x40, v0  }
0x2c: {  	[tilespmem:$0x64E0] =	vst v0  }
0x2d: {  	v0 =	vld [tilespmem:s18+$0x30];
	_ =	sdelay $0x4  }
0x2e: {  	v63 =	vshrl.u32 v0, $0x1;
	v0 =	vshll.u32 v0, $0x6  }
0x2f: {  	[tilespmem:$0x6470] =	vst v63;
	v0 =	vand.u32 $0x40, v0  }
0x30: {  	s19 =	sadd.s32 $0x0, s8;
	[tilespmem:$0x64F0] =	vst v0  }
0x31: {  	[tilespmem:s12], [sflag:$0x1] =	stream.indirect.gather [hbm4b:s4+s10], $0x80, s11, s10, $0xb8;
	[tilespmem:$0xC500] =	vst v63  }
0x32: {  	s19 =	sand.u32 $0xF80, s19;
	_ =	swait.ge [sflag:s13], $0x4000  }
0x33: {  	s20 =	sand.u32 $0xFFF8000, s7;
	s19 =	sadd.s32 s2, s19;
	[sflag:s13] =	ssyncset.done $0x0  }
0x34: {  	s19 =	sadd.s32 s20, s19;
	[sflag:s13] =	ssyncadd.s32 $0xFFFFC000  }
0x35: {  	[hbm4b:s19+s14] =	stream.strided.scatter [tilespmem:s16], [sflag:$0x2], $0x2000, s15, s14, $0x38;
	[tilespmem:$0xC500] =	vst v63  }
0x36: {  	_ =	swait.ge [sflag:s9], $0x2000  }
0x37: {  	s20 =	smov.u32 s7;
	s19 =	simm.s32 $0x80;
	[sflag:s9] =	ssyncset.done $0x0  }
.LBB2_2:
0x38: {  	[sflag:s9] =	ssyncadd.s32 $0xFFFFE000;
	s20 =	sadd.s32 $0x400, s20;
	s18 =	sadd.s32 $0x80, s18  }
0x39: {  	p0 =	sne.s32 s19, $0x6380;
	s21 =	smov.u32 s19;
	s19 =	sadd.s32 $0x80, s19;
	v0 =	vld [tilespmem:s18+$0xFFFFFFC0]  }
0x3a: {  	_ =	sdelay $0x3  }
0x3b: {  	v1 =	vshrl.u32 v0, $0x1;
	v0 =	vshll.u32 v0, $0x6  }
0x3c: {  	[tilespmem:$0x6400] =	vst v1;
	v0 =	vand.u32 $0x40, v0  }
0x3d: {  	[tilespmem:$0x6480] =	vst v0  }
0x3e: {  	v0 =	vld [tilespmem:s18+$0xFFFFFFD0];
	_ =	sdelay $0x4  }
0x3f: {  	v1 =	vshrl.u32 v0, $0x1;
	v0 =	vshll.u32 v0, $0x6  }
0x40: {  	[tilespmem:$0x6410] =	vst v1;
	v0 =	vand.u32 $0x40, v0  }
0x41: {  	[tilespmem:$0x6490] =	vst v0  }
0x42: {  	v0 =	vld [tilespmem:s18+$0xFFFFFFE0];
	_ =	sdelay $0x4  }
0x43: {  	v1 =	vshrl.u32 v0, $0x1;
	v0 =	vshll.u32 v0, $0x6  }
0x44: {  	[tilespmem:$0x6420] =	vst v1;
	v0 =	vand.u32 $0x40, v0  }
0x45: {  	[tilespmem:$0x64A0] =	vst v0  }
0x46: {  	v0 =	vld [tilespmem:s18+$0xFFFFFFF0];
	_ =	sdelay $0x4  }
0x47: {  	v1 =	vshrl.u32 v0, $0x1;
	v0 =	vshll.u32 v0, $0x6  }
0x48: {  	[tilespmem:$0x6430] =	vst v1;
	v0 =	vand.u32 $0x40, v0  }
0x49: {  	[tilespmem:$0x64B0] =	vst v0  }
0x4a: {  	v0 =	vld [tilespmem:s18+$0x0];
	_ =	sdelay $0x4  }
0x4b: {  	v1 =	vshrl.u32 v0, $0x1;
	v0 =	vshll.u32 v0, $0x6  }
0x4c: {  	[tilespmem:$0x6440] =	vst v1;
	v0 =	vand.u32 $0x40, v0  }
0x4d: {  	[tilespmem:$0x64C0] =	vst v0  }
0x4e: {  	v0 =	vld [tilespmem:s18+$0x10];
	_ =	sdelay $0x4  }
0x4f: {  	v1 =	vshrl.u32 v0, $0x1;
	v0 =	vshll.u32 v0, $0x6  }
0x50: {  	[tilespmem:$0x6450] =	vst v1;
	v0 =	vand.u32 $0x40, v0  }
0x51: {  	[tilespmem:$0x64D0] =	vst v0  }
0x52: {  	v0 =	vld [tilespmem:s18+$0x20];
	_ =	sdelay $0x4  }
0x53: {  	v1 =	vshrl.u32 v0, $0x1;
	v0 =	vshll.u32 v0, $0x6  }
0x54: {  	[tilespmem:$0x6460] =	vst v1;
	v0 =	vand.u32 $0x40, v0  }
0x55: {  	[tilespmem:$0x64E0] =	vst v0  }
0x56: {  	v0 =	vld [tilespmem:s18+$0x30];
	_ =	sdelay $0x4  }
0x57: {  	v1 =	vshrl.u32 v0, $0x1;
	v0 =	vshll.u32 v0, $0x6  }
0x58: {  	[tilespmem:$0x6470] =	vst v1;
	v0 =	vand.u32 $0x40, v0  }
0x59: {  	s21 =	sadd.s32 s21, s8;
	[tilespmem:$0x64F0] =	vst v0  }
0x5a: {  	[tilespmem:s12], [sflag:$0x1] =	stream.indirect.gather [hbm4b:s4+s10], $0x80, s11, s10, $0xb8;
	[tilespmem:$0xC500] =	vst v63  }
0x5b: {  	s22 =	sand.u32 $0xFFF8000, s20;
	s21 =	sand.u32 $0xF80, s21;
	_ =	swait.ge [sflag:s13], $0x4000  }
.Ltmp0:
0x5c: {  	s21 =	sadd.s32 s2, s21;
	[sflag:s13] =	ssyncset.done $0x0;
	(pc) =	sbr.rel @p0 .LBB2_2-.Ltmp0, $4  }
0x5d: {  	s21 =	sadd.s32 s22, s21;
	[sflag:s13] =	ssyncadd.s32 $0xFFFFC000  }
0x5e: {  	[hbm4b:s21+s14] =	stream.strided.scatter [tilespmem:s16], [sflag:$0x2], $0x2000, s15, s14, $0x38;
	[tilespmem:$0xC500] =	vst v63  }
0x5f: {  	_ =	swait.ge [sflag:s9], $0x2000  }
0x60: {  	[sflag:s9] =	ssyncset.done $0x0  }
0x61: {  	s17 =	sadd.s32 $0x1, s17  }
0x62: {  	p0 =	sne.s32 s17, s6  }
.Ltmp1:
0x63: {  	_ = 	snop;
	(pc) =	sbr.rel @p0 .LBB2_1-.Ltmp1, $2  }
0x64: {  	_ =	sdelay $0x2  }
0x65: {  	[sflag:s9] =	ssyncadd.s32 $0xFFFFE000  }
0x66: {  	_ =	sfence.sel $0x180000  }
0x67: {  	[bflag:$0x0] =	sbarrier.arrive $0xFFFF  }
0x68: {  	p0 =	sne.s32 s0, $0x0;
	_ =	strace $0x9000004A  }
0x69: {  	s0 =	sadd.s32 @!p0 $0x100000, s1;
	[bflag:$0x2] =	sbarrier.arrive $0xFFFF  }
0x6a: {  	[sflag:s0] =	ssyncadd.tile.s32 @!p0 $0x1;
	_ =	shalt  }
.Lfunc_end2:
_tile_overlayer_lowered:
.L_overlay_start_2:
0x6b: {  	(tag) =	ssettag $0x2  }
0x6c: {  	s0 =	rddreg [dreg:$0x0];
	s2 =	stileid.u32  }
0x6d: {  	s1 =	rddreg [dreg:$0x1];
	p0 =	sne.s32 s2, $0x0  }
0x6e: {  	s3 =	rddreg [dreg:$0x2];
	[bflag:$0x3] =	sbarrier.arrive $0xFFFF;
	s2 =	simm.s32 @!p0 $0x1C02  }
0x6f: {  	[timem:s3], [sflag:s2] =	dma.local @!p0 [hbm:s0], s1  }
0x70: {  	s0 =	simm.s32 @!p0 $0x2  }
0x71: {  	_ =	swait.ge @!p0 [sflag:s0], s1  }
0x72: {  	s1 =	ssub.s32 @!p0 $0x0, s1;
	[sflag:s0] =	ssyncset.done @!p0 $0x0  }
0x73: {  	[sflag:s0] =	ssyncadd.s32 @!p0 s1  }
0x74: {  	[bflag:$0x3] =	sbarrier.arrive $0xFFFF  }
0x75: {  	_ =	shalt  }

</sc_bundles>
